<compile_context>
chip_gen: v7x
topology: tpu7x:2x2x1
jax: 0.10.2.dev20260603
libtpu: 0.0.44.dev20260713+nightly
codegen_flags: <defaults>
</compile_context>

<pallas_src>
import functools

import jax
import jax.numpy as jnp
from jax import lax
from jax.experimental import pallas as pl
from jax.experimental.pallas import tpu as pltpu
from jax.experimental.pallas import tpu_sc as plsc

_N = 65536
_K = 8192
_H = 4096
_D = 32
_B = 512
_NBLK = _N // _B

_NC = 2
_NS = 16
_NW = _NC * _NS
_BW = _N // _NW
_CH = 128
_NCH = _BW // _CH


def _vq_body(x_ref, x2_ref, wt_ref, w2_ref,
             idx_ref, loss_ref, perp_ref,
             cnt_acc, loss_acc):
    i = pl.program_id(0)

    @pl.when(i == 0)
    def _init():
        cnt_acc[...] = jnp.zeros_like(cnt_acc)
        loss_acc[...] = jnp.zeros_like(loss_acc)

    x = x_ref[...]
    xb = x.astype(jnp.bfloat16)
    s = jnp.dot(xb, wt_ref[...], preferred_element_type=jnp.float32)
    x2 = x2_ref[...]
    w2 = w2_ref[...]
    dist = (x2 + w2) - 2.0 * s

    d0 = dist[:, :_H]
    d1 = dist[:, _H:]
    m0 = jnp.min(d0, axis=1, keepdims=True)
    m1 = jnp.min(d1, axis=1, keepdims=True)
    colh = jax.lax.broadcasted_iota(jnp.int32, (_B, _H), 1)
    i0 = jnp.min(jnp.where(d0 == m0, colh, _K), axis=1)
    i1 = jnp.min(jnp.where(d1 == m1, colh + _H, _K), axis=1)

    m0b = m0.astype(jnp.bfloat16).astype(jnp.float32)
    take1 = m1 < m0b
    idx = jnp.where(take1[:, 0], i1, i0)
    idx_ref[0, 0, :] = idx

    ld = jnp.where(take1, m1, m0)

    col = jax.lax.broadcasted_iota(jnp.int32, (_B, _K), 1)
    onehot = (col == idx[:, None]).astype(jnp.float32)
    cnt_acc[...] += jnp.sum(onehot, axis=0)[None, :]
    loss_acc[...] += jnp.sum(ld).reshape(1, 1)

    @pl.when(i == _NBLK - 1)
    def _fini():
        loss_ref[...] = loss_acc[...] * (1.25 / (_N * _D))
        avg = cnt_acc[...] * (1.0 / _N)
        ent = avg * jnp.log(avg + 1e-10)
        perp_ref[...] = jnp.exp(-jnp.sum(ent)).reshape(1, 1)


def _sc_gather_body(w_hbm, idx_hbm, out_hbm, idx_v, rows_v, sem):
    wid = lax.axis_index("s") * _NC + lax.axis_index("c")
    base = wid * _BW
    for c in range(_NCH):
        off = base + c * _CH
        pltpu.sync_copy(idx_hbm.at[pl.ds(off, _CH)], idx_v)
        pltpu.async_copy(w_hbm.at[idx_v], rows_v, sem).wait()
        pltpu.sync_copy(rows_v, out_hbm.at[pl.ds(off, _CH)])


@jax.jit
def kernel(inputs, weight):
    input_shape = inputs.shape
    flat = inputs.reshape(-1, _D)
    x2 = jnp.sum(flat ** 2, axis=1, keepdims=True)
    w2 = jnp.sum(weight ** 2, axis=1)[None, :]
    wt = weight.T

    idx3, loss11, perp11 = pl.pallas_call(
        _vq_body,
        grid=(_NBLK,),
        in_specs=[
            pl.BlockSpec((_B, _D), lambda i: (i, 0)),
            pl.BlockSpec((_B, 1), lambda i: (i, 0)),
            pl.BlockSpec((_D, _K), lambda i: (0, 0)),
            pl.BlockSpec((1, _K), lambda i: (0, 0)),
        ],
        out_specs=[
            pl.BlockSpec((1, 1, _B), lambda i: (i, 0, 0)),
            pl.BlockSpec((1, 1), lambda i: (0, 0)),
            pl.BlockSpec((1, 1), lambda i: (0, 0)),
        ],
        out_shape=[
            jax.ShapeDtypeStruct((_NBLK, 1, _B), jnp.int32),
            jax.ShapeDtypeStruct((1, 1), jnp.float32),
            jax.ShapeDtypeStruct((1, 1), jnp.float32),
        ],
        scratch_shapes=[
            pltpu.VMEM((1, _K), jnp.float32),
            pltpu.VMEM((1, 1), jnp.float32),
        ],
        compiler_params=pltpu.CompilerParams(
            dimension_semantics=("arbitrary",),
        ),
    )(flat, x2, wt, w2)

    encoding_indices = idx3.reshape(_N)

    mesh = plsc.VectorSubcoreMesh(core_axis_name="c", subcore_axis_name="s")
    gather = functools.partial(
        pl.kernel,
        mesh=mesh,
        out_type=jax.ShapeDtypeStruct((_N, _D), jnp.float32),
        scratch_types=[
            pltpu.VMEM((_CH,), jnp.int32),
            pltpu.VMEM((_CH, _D), jnp.float32),
            pltpu.SemaphoreType.DMA,
        ],
        compiler_params=pltpu.CompilerParams(use_tc_tiling_on_sc=False),
    )(_sc_gather_body)
    q = gather(weight, encoding_indices)

    quantized_st = q.reshape(input_shape)
    loss = loss11.reshape(())
    perplexity = perp11.reshape(())
    return quantized_st, loss, perplexity, encoding_indices

# --- scband reference (transcript-rebuilt; emitter-appended) ---
"""Pipeline reference for scband-vector-quantizer-8856222564501 (READ-ONLY COPY).

The authoritative reference and input builder live on the scoring server;
editing this copy changes nothing except your own understanding.
"""

import jax, jax.numpy as jnp
import numpy as np

NUM_EMBEDDINGS = 8192
EMBEDDING_DIM = 32
COMMITMENT_COST = 0.25


def setup_inputs(seed: int = 0) -> dict:
    key = jax.random.key(seed)
    k1, k2 = jax.random.split(key)
    inputs = jax.random.normal(k1, (64, 1024, EMBEDDING_DIM), dtype=jnp.float32)
    # codebook initialized uniform(-1/K, 1/K) as in the torch module
    weight = jax.random.uniform(k2, (NUM_EMBEDDINGS, EMBEDDING_DIM), dtype=jnp.float32,
                                minval=-1.0 / NUM_EMBEDDINGS, maxval=1.0 / NUM_EMBEDDINGS)
    return {"inputs": inputs, "weight": weight}


def reference(inputs, weight):
    input_shape = inputs.shape
    flat_inputs = inputs.reshape(-1, EMBEDDING_DIM)
    distances = (jnp.sum(flat_inputs ** 2, axis=1, keepdims=True)
                 + jnp.sum(weight ** 2, axis=1)
                 - 2.0 * jnp.matmul(flat_inputs, weight.T))
    encoding_indices = jnp.argmin(distances, axis=1)
    quantized = jnp.take(weight, encoding_indices, axis=0).reshape(input_shape)
    e_latent_loss = jnp.mean((jax.lax.stop_gradient(quantized) - inputs) ** 2)
    q_latent_loss = jnp.mean((quantized - jax.lax.stop_gradient(inputs)) ** 2)
    loss = q_latent_loss + COMMITMENT_COST * e_latent_loss
    quantized_st = inputs + jax.lax.stop_gradient(quantized - inputs)
    counts = jnp.bincount(encoding_indices, length=NUM_EMBEDDINGS).astype(jnp.float32)
    avg_probs = counts / encoding_indices.shape[0]
    perplexity = jnp.exp(-jnp.sum(avg_probs * jnp.log(avg_probs + 1e-10)))
    return quantized_st, loss, perplexity, encoding_indices

if __name__ == "__main__":
    import jax
    _d = setup_inputs()
    print(jax.jit(kernel)(*tuple(_d.values())))

</pallas_src>

<mosaic_0001>
#map = affine_map<(d0, d1) -> (0, 0)>
#map1 = affine_map<(d0, d1) -> (0)>
module attributes {stable_mosaic.version = 14 : i64} {
  func.func @_sc_gather_body(%arg0: i32, %arg1: i32, %arg2: memref<8192x32xf32, #tpu.memory_space<hbm>>, %arg3: memref<65536xi32, #tpu.memory_space<hbm>>, %arg4: memref<65536x32xf32, #tpu.memory_space<hbm>>, %arg5: memref<128xi32, #tpu.memory_space<vmem>>, %arg6: memref<128x32xf32, #tpu.memory_space<vmem>>, %arg7: memref<!tpu.dma_semaphore, #tpu.memory_space<semaphore_mem>>) attributes {dimension_semantics = [#tpu.dimension_semantics<core_parallel>, #tpu.dimension_semantics<subcore_parallel>], iteration_bounds = array<i64: 2, 16>, scalar_prefetch = 0 : i64, scratch_operands = 3 : i64, tpu.core_type = #tpu.core_type<sc_vector_subcore>, window_params = [{transform_indices = #map}, {transform_indices = #map1}, {transform_indices = #map}]} {
    %mul3A = arith.constant 2 : i32
    %mul3A_0 = arith.muli %arg1, %mul3A : i32
    %add3A = arith.addi %mul3A_0, %arg0 : i32
    %mul3A_1 = arith.constant 2048 : i32
    %mul3A_2 = arith.muli %add3A, %mul3A_1 : i32
    %add3A_3 = arith.constant 0 : i32
    %add3A_4 = arith.addi %mul3A_2, %add3A_3 : i32
    "tpu.region"() ({
      %run_scoped3A = tpu.sem_alloc : memref<!tpu.dma_semaphore, #tpu.memory_space<semaphore_mem>>
      %dma_start3A_129 = tpu.memref_slice %arg3[%add3A_4] : memref<65536xi32, #tpu.memory_space<hbm>> -> memref<128xi32, #tpu.memory_space<hbm>>
      %dma_start3A_130 = tpu.memref_slice %arg3[%add3A_4] : memref<65536xi32, #tpu.memory_space<hbm>> -> memref<128xi32, #tpu.memory_space<hbm>>
      tpu.enqueue_dma source(%dma_start3A_130 : memref<128xi32, #tpu.memory_space<hbm>>) target(%arg5 : memref<128xi32, #tpu.memory_space<vmem>>) target_semaphore(%run_scoped3A : memref<!tpu.dma_semaphore, #tpu.memory_space<semaphore_mem>>)
      %dma_wait3A_131 = tpu.memref_slice %arg3[%add3A_4] : memref<65536xi32, #tpu.memory_space<hbm>> -> memref<128xi32, #tpu.memory_space<hbm>>
      %dma_wait3A_132 = tpu.memref_slice %arg3[%add3A_4] : memref<65536xi32, #tpu.memory_space<hbm>> -> memref<128xi32, #tpu.memory_space<hbm>>
      tpu.wait_dma2 semaphore(%run_scoped3A : memref<!tpu.dma_semaphore, #tpu.memory_space<semaphore_mem>>) src(%dma_wait3A_132 : memref<128xi32, #tpu.memory_space<hbm>>) dst(%arg5 : memref<128xi32, #tpu.memory_space<vmem>>)
      tpu.yield
    }) : () -> ()
    %dma_start3A = arith.constant 0 : i32
    %dma_start3A_5 = arith.constant 0 : i32
    %dma_start3A_6 = tpu.memref_slice %arg2[%dma_start3A, %dma_start3A_5] : memref<8192x32xf32, #tpu.memory_space<hbm>> -> memref<8192x32xf32, #tpu.memory_space<hbm>>
    tpu.enqueue_indirect_dma source(%dma_start3A_6 : memref<8192x32xf32, #tpu.memory_space<hbm>>) target(%arg6 : memref<128x32xf32, #tpu.memory_space<vmem>>) offsets(%arg5 : memref<128xi32, #tpu.memory_space<vmem>>) semaphore(%arg7 : memref<!tpu.dma_semaphore, #tpu.memory_space<semaphore_mem>>)
    %dma_wait3A = arith.constant 0 : i32
    %dma_wait3A_7 = arith.constant 0 : i32
    %dma_wait3A_8 = tpu.memref_slice %arg2[%dma_wait3A, %dma_wait3A_7] : memref<8192x32xf32, #tpu.memory_space<hbm>> -> memref<8192x32xf32, #tpu.memory_space<hbm>>
    tpu.wait_indirect_dma semaphore(%arg7 : memref<!tpu.dma_semaphore, #tpu.memory_space<semaphore_mem>>) src(%dma_wait3A_8 : memref<8192x32xf32, #tpu.memory_space<hbm>>) dst(%arg6 : memref<128x32xf32, #tpu.memory_space<vmem>>)
    "tpu.region"() ({
      %run_scoped3A = tpu.sem_alloc : memref<!tpu.dma_semaphore, #tpu.memory_space<semaphore_mem>>
      %dma_start3A_129 = arith.constant 0 : i32
      %dma_start3A_130 = tpu.memref_slice %arg4[%add3A_4, %dma_start3A_129] : memref<65536x32xf32, #tpu.memory_space<hbm>> -> memref<128x32xf32, #tpu.memory_space<hbm>>
      %dma_start3A_131 = arith.constant 0 : i32
      %dma_start3A_132 = tpu.memref_slice %arg4[%add3A_4, %dma_start3A_131] : memref<65536x32xf32, #tpu.memory_space<hbm>> -> memref<128x32xf32, #tpu.memory_space<hbm>>
      tpu.enqueue_dma source(%arg6 : memref<128x32xf32, #tpu.memory_space<vmem>>) target(%dma_start3A_132 : memref<128x32xf32, #tpu.memory_space<hbm>>) target_semaphore(%run_scoped3A : memref<!tpu.dma_semaphore, #tpu.memory_space<semaphore_mem>>)
      %dma_wait3A_133 = arith.constant 0 : i32
      %dma_wait3A_134 = tpu.memref_slice %arg4[%add3A_4, %dma_wait3A_133] : memref<65536x32xf32, #tpu.memory_space<hbm>> -> memref<128x32xf32, #tpu.memory_space<hbm>>
      %dma_wait3A_135 = arith.constant 0 : i32
      %dma_wait3A_136 = tpu.memref_slice %arg4[%add3A_4, %dma_wait3A_135] : memref<65536x32xf32, #tpu.memory_space<hbm>> -> memref<128x32xf32, #tpu.memory_space<hbm>>
      tpu.wait_dma2 semaphore(%run_scoped3A : memref<!tpu.dma_semaphore, #tpu.memory_space<semaphore_mem>>) src(%arg6 : memref<128x32xf32, #tpu.memory_space<vmem>>) dst(%dma_wait3A_136 : memref<128x32xf32, #tpu.memory_space<hbm>>)
      tpu.yield
    }) : () -> ()
    %add3A_9 = arith.constant 128 : i32
    %add3A_10 = arith.addi %mul3A_2, %add3A_9 : i32
    "tpu.region"() ({
      %run_scoped3A = tpu.sem_alloc : memref<!tpu.dma_semaphore, #tpu.memory_space<semaphore_mem>>
      %dma_start3A_129 = tpu.memref_slice %arg3[%add3A_10] : memref<65536xi32, #tpu.memory_space<hbm>> -> memref<128xi32, #tpu.memory_space<hbm>>
      %dma_start3A_130 = tpu.memref_slice %arg3[%add3A_10] : memref<65536xi32, #tpu.memory_space<hbm>> -> memref<128xi32, #tpu.memory_space<hbm>>
      tpu.enqueue_dma source(%dma_start3A_130 : memref<128xi32, #tpu.memory_space<hbm>>) target(%arg5 : memref<128xi32, #tpu.memory_space<vmem>>) target_semaphore(%run_scoped3A : memref<!tpu.dma_semaphore, #tpu.memory_space<semaphore_mem>>)
      %dma_wait3A_131 = tpu.memref_slice %arg3[%add3A_10] : memref<65536xi32, #tpu.memory_space<hbm>> -> memref<128xi32, #tpu.memory_space<hbm>>
      %dma_wait3A_132 = tpu.memref_slice %arg3[%add3A_10] : memref<65536xi32, #tpu.memory_space<hbm>> -> memref<128xi32, #tpu.memory_space<hbm>>
      tpu.wait_dma2 semaphore(%run_scoped3A : memref<!tpu.dma_semaphore, #tpu.memory_space<semaphore_mem>>) src(%dma_wait3A_132 : memref<128xi32, #tpu.memory_space<hbm>>) dst(%arg5 : memref<128xi32, #tpu.memory_space<vmem>>)
      tpu.yield
    }) : () -> ()
    %dma_start3A_11 = arith.constant 0 : i32
    %dma_start3A_12 = arith.constant 0 : i32
    %dma_start3A_13 = tpu.memref_slice %arg2[%dma_start3A_11, %dma_start3A_12] : memref<8192x32xf32, #tpu.memory_space<hbm>> -> memref<8192x32xf32, #tpu.memory_space<hbm>>
    tpu.enqueue_indirect_dma source(%dma_start3A_13 : memref<8192x32xf32, #tpu.memory_space<hbm>>) target(%arg6 : memref<128x32xf32, #tpu.memory_space<vmem>>) offsets(%arg5 : memref<128xi32, #tpu.memory_space<vmem>>) semaphore(%arg7 : memref<!tpu.dma_semaphore, #tpu.memory_space<semaphore_mem>>)
    %dma_wait3A_14 = arith.constant 0 : i32
    %dma_wait3A_15 = arith.constant 0 : i32
    %dma_wait3A_16 = tpu.memref_slice %arg2[%dma_wait3A_14, %dma_wait3A_15] : memref<8192x32xf32, #tpu.memory_space<hbm>> -> memref<8192x32xf32, #tpu.memory_space<hbm>>
    tpu.wait_indirect_dma semaphore(%arg7 : memref<!tpu.dma_semaphore, #tpu.memory_space<semaphore_mem>>) src(%dma_wait3A_16 : memref<8192x32xf32, #tpu.memory_space<hbm>>) dst(%arg6 : memref<128x32xf32, #tpu.memory_space<vmem>>)
    "tpu.region"() ({
      %run_scoped3A = tpu.sem_alloc : memref<!tpu.dma_semaphore, #tpu.memory_space<semaphore_mem>>
      %dma_start3A_129 = arith.constant 0 : i32
      %dma_start3A_130 = tpu.memref_slice %arg4[%add3A_10, %dma_start3A_129] : memref<65536x32xf32, #tpu.memory_space<hbm>> -> memref<128x32xf32, #tpu.memory_space<hbm>>
      %dma_start3A_131 = arith.constant 0 : i32
      %dma_start3A_132 = tpu.memref_slice %arg4[%add3A_10, %dma_start3A_131] : memref<65536x32xf32, #tpu.memory_space<hbm>> -> memref<128x32xf32, #tpu.memory_space<hbm>>
      tpu.enqueue_dma source(%arg6 : memref<128x32xf32, #tpu.memory_space<vmem>>) target(%dma_start3A_132 : memref<128x32xf32, #tpu.memory_space<hbm>>) target_semaphore(%run_scoped3A : memref<!tpu.dma_semaphore, #tpu.memory_space<semaphore_mem>>)
      %dma_wait3A_133 = arith.constant 0 : i32
      %dma_wait3A_134 = tpu.memref_slice %arg4[%add3A_10, %dma_wait3A_133] : memref<65536x32xf32, #tpu.memory_space<hbm>> -> memref<128x32xf32, #tpu.memory_space<hbm>>
      %dma_wait3A_135 = arith.constant 0 : i32
      %dma_wait3A_136 = tpu.memref_slice %arg4[%add3A_10, %dma_wait3A_135] : memref<65536x32xf32, #tpu.memory_space<hbm>> -> memref<128x32xf32, #tpu.memory_space<hbm>>
      tpu.wait_dma2 semaphore(%run_scoped3A : memref<!tpu.dma_semaphore, #tpu.memory_space<semaphore_mem>>) src(%arg6 : memref<128x32xf32, #tpu.memory_space<vmem>>) dst(%dma_wait3A_136 : memref<128x32xf32, #tpu.memory_space<hbm>>)
      tpu.yield
    }) : () -> ()
    %add3A_17 = arith.constant 256 : i32
    %add3A_18 = arith.addi %mul3A_2, %add3A_17 : i32
    "tpu.region"() ({
      %run_scoped3A = tpu.sem_alloc : memref<!tpu.dma_semaphore, #tpu.memory_space<semaphore_mem>>
      %dma_start3A_129 = tpu.memref_slice %arg3[%add3A_18] : memref<65536xi32, #tpu.memory_space<hbm>> -> memref<128xi32, #tpu.memory_space<hbm>>
      %dma_start3A_130 = tpu.memref_slice %arg3[%add3A_18] : memref<65536xi32, #tpu.memory_space<hbm>> -> memref<128xi32, #tpu.memory_space<hbm>>
      tpu.enqueue_dma source(%dma_start3A_130 : memref<128xi32, #tpu.memory_space<hbm>>) target(%arg5 : memref<128xi32, #tpu.memory_space<vmem>>) target_semaphore(%run_scoped3A : memref<!tpu.dma_semaphore, #tpu.memory_space<semaphore_mem>>)
      %dma_wait3A_131 = tpu.memref_slice %arg3[%add3A_18] : memref<65536xi32, #tpu.memory_space<hbm>> -> memref<128xi32, #tpu.memory_space<hbm>>
      %dma_wait3A_132 = tpu.memref_slice %arg3[%add3A_18] : memref<65536xi32, #tpu.memory_space<hbm>> -> memref<128xi32, #tpu.memory_space<hbm>>
      tpu.wait_dma2 semaphore(%run_scoped3A : memref<!tpu.dma_semaphore, #tpu.memory_space<semaphore_mem>>) src(%dma_wait3A_132 : memref<128xi32, #tpu.memory_space<hbm>>) dst(%arg5 : memref<128xi32, #tpu.memory_space<vmem>>)
      tpu.yield
    }) : () -> ()
    %dma_start3A_19 = arith.constant 0 : i32
    %dma_start3A_20 = arith.constant 0 : i32
    %dma_start3A_21 = tpu.memref_slice %arg2[%dma_start3A_19, %dma_start3A_20] : memref<8192x32xf32, #tpu.memory_space<hbm>> -> memref<8192x32xf32, #tpu.memory_space<hbm>>
    tpu.enqueue_indirect_dma source(%dma_start3A_21 : memref<8192x32xf32, #tpu.memory_space<hbm>>) target(%arg6 : memref<128x32xf32, #tpu.memory_space<vmem>>) offsets(%arg5 : memref<128xi32, #tpu.memory_space<vmem>>) semaphore(%arg7 : memref<!tpu.dma_semaphore, #tpu.memory_space<semaphore_mem>>)
    %dma_wait3A_22 = arith.constant 0 : i32
    %dma_wait3A_23 = arith.constant 0 : i32
    %dma_wait3A_24 = tpu.memref_slice %arg2[%dma_wait3A_22, %dma_wait3A_23] : memref<8192x32xf32, #tpu.memory_space<hbm>> -> memref<8192x32xf32, #tpu.memory_space<hbm>>
    tpu.wait_indirect_dma semaphore(%arg7 : memref<!tpu.dma_semaphore, #tpu.memory_space<semaphore_mem>>) src(%dma_wait3A_24 : memref<8192x32xf32, #tpu.memory_space<hbm>>) dst(%arg6 : memref<128x32xf32, #tpu.memory_space<vmem>>)
    "tpu.region"() ({
      %run_scoped3A = tpu.sem_alloc : memref<!tpu.dma_semaphore, #tpu.memory_space<semaphore_mem>>
      %dma_start3A_129 = arith.constant 0 : i32
      %dma_start3A_130 = tpu.memref_slice %arg4[%add3A_18, %dma_start3A_129] : memref<65536x32xf32, #tpu.memory_space<hbm>> -> memref<128x32xf32, #tpu.memory_space<hbm>>
      %dma_start3A_131 = arith.constant 0 : i32
      %dma_start3A_132 = tpu.memref_slice %arg4[%add3A_18, %dma_start3A_131] : memref<65536x32xf32, #tpu.memory_space<hbm>> -> memref<128x32xf32, #tpu.memory_space<hbm>>
      tpu.enqueue_dma source(%arg6 : memref<128x32xf32, #tpu.memory_space<vmem>>) target(%dma_start3A_132 : memref<128x32xf32, #tpu.memory_space<hbm>>) target_semaphore(%run_scoped3A : memref<!tpu.dma_semaphore, #tpu.memory_space<semaphore_mem>>)
      %dma_wait3A_133 = arith.constant 0 : i32
      %dma_wait3A_134 = tpu.memref_slice %arg4[%add3A_18, %dma_wait3A_133] : memref<65536x32xf32, #tpu.memory_space<hbm>> -> memref<128x32xf32, #tpu.memory_space<hbm>>
      %dma_wait3A_135 = arith.constant 0 : i32
      %dma_wait3A_136 = tpu.memref_slice %arg4[%add3A_18, %dma_wait3A_135] : memref<65536x32xf32, #tpu.memory_space<hbm>> -> memref<128x32xf32, #tpu.memory_space<hbm>>
      tpu.wait_dma2 semaphore(%run_scoped3A : memref<!tpu.dma_semaphore, #tpu.memory_space<semaphore_mem>>) src(%arg6 : memref<128x32xf32, #tpu.memory_space<vmem>>) dst(%dma_wait3A_136 : memref<128x32xf32, #tpu.memory_space<hbm>>)
      tpu.yield
    }) : () -> ()
    %add3A_25 = arith.constant 384 : i32
    %add3A_26 = arith.addi %mul3A_2, %add3A_25 : i32
    "tpu.region"() ({
      %run_scoped3A = tpu.sem_alloc : memref<!tpu.dma_semaphore, #tpu.memory_space<semaphore_mem>>
      %dma_start3A_129 = tpu.memref_slice %arg3[%add3A_26] : memref<65536xi32, #tpu.memory_space<hbm>> -> memref<128xi32, #tpu.memory_space<hbm>>
      %dma_start3A_130 = tpu.memref_slice %arg3[%add3A_26] : memref<65536xi32, #tpu.memory_space<hbm>> -> memref<128xi32, #tpu.memory_space<hbm>>
      tpu.enqueue_dma source(%dma_start3A_130 : memref<128xi32, #tpu.memory_space<hbm>>) target(%arg5 : memref<128xi32, #tpu.memory_space<vmem>>) target_semaphore(%run_scoped3A : memref<!tpu.dma_semaphore, #tpu.memory_space<semaphore_mem>>)
      %dma_wait3A_131 = tpu.memref_slice %arg3[%add3A_26] : memref<65536xi32, #tpu.memory_space<hbm>> -> memref<128xi32, #tpu.memory_space<hbm>>
      %dma_wait3A_132 = tpu.memref_slice %arg3[%add3A_26] : memref<65536xi32, #tpu.memory_space<hbm>> -> memref<128xi32, #tpu.memory_space<hbm>>
      tpu.wait_dma2 semaphore(%run_scoped3A : memref<!tpu.dma_semaphore, #tpu.memory_space<semaphore_mem>>) src(%dma_wait3A_132 : memref<128xi32, #tpu.memory_space<hbm>>) dst(%arg5 : memref<128xi32, #tpu.memory_space<vmem>>)
      tpu.yield
    }) : () -> ()
    %dma_start3A_27 = arith.constant 0 : i32
    %dma_start3A_28 = arith.constant 0 : i32
    %dma_start3A_29 = tpu.memref_slice %arg2[%dma_start3A_27, %dma_start3A_28] : memref<8192x32xf32, #tpu.memory_space<hbm>> -> memref<8192x32xf32, #tpu.memory_space<hbm>>
    tpu.enqueue_indirect_dma source(%dma_start3A_29 : memref<8192x32xf32, #tpu.memory_space<hbm>>) target(%arg6 : memref<128x32xf32, #tpu.memory_space<vmem>>) offsets(%arg5 : memref<128xi32, #tpu.memory_space<vmem>>) semaphore(%arg7 : memref<!tpu.dma_semaphore, #tpu.memory_space<semaphore_mem>>)
    %dma_wait3A_30 = arith.constant 0 : i32
    %dma_wait3A_31 = arith.constant 0 : i32
    %dma_wait3A_32 = tpu.memref_slice %arg2[%dma_wait3A_30, %dma_wait3A_31] : memref<8192x32xf32, #tpu.memory_space<hbm>> -> memref<8192x32xf32, #tpu.memory_space<hbm>>
    tpu.wait_indirect_dma semaphore(%arg7 : memref<!tpu.dma_semaphore, #tpu.memory_space<semaphore_mem>>) src(%dma_wait3A_32 : memref<8192x32xf32, #tpu.memory_space<hbm>>) dst(%arg6 : memref<128x32xf32, #tpu.memory_space<vmem>>)
    "tpu.region"() ({
      %run_scoped3A = tpu.sem_alloc : memref<!tpu.dma_semaphore, #tpu.memory_space<semaphore_mem>>
      %dma_start3A_129 = arith.constant 0 : i32
      %dma_start3A_130 = tpu.memref_slice %arg4[%add3A_26, %dma_start3A_129] : memref<65536x32xf32, #tpu.memory_space<hbm>> -> memref<128x32xf32, #tpu.memory_space<hbm>>
      %dma_start3A_131 = arith.constant 0 : i32
      %dma_start3A_132 = tpu.memref_slice %arg4[%add3A_26, %dma_start3A_131] : memref<65536x32xf32, #tpu.memory_space<hbm>> -> memref<128x32xf32, #tpu.memory_space<hbm>>
      tpu.enqueue_dma source(%arg6 : memref<128x32xf32, #tpu.memory_space<vmem>>) target(%dma_start3A_132 : memref<128x32xf32, #tpu.memory_space<hbm>>) target_semaphore(%run_scoped3A : memref<!tpu.dma_semaphore, #tpu.memory_space<semaphore_mem>>)
      %dma_wait3A_133 = arith.constant 0 : i32
      %dma_wait3A_134 = tpu.memref_slice %arg4[%add3A_26, %dma_wait3A_133] : memref<65536x32xf32, #tpu.memory_space<hbm>> -> memref<128x32xf32, #tpu.memory_space<hbm>>
      %dma_wait3A_135 = arith.constant 0 : i32
      %dma_wait3A_136 = tpu.memref_slice %arg4[%add3A_26, %dma_wait3A_135] : memref<65536x32xf32, #tpu.memory_space<hbm>> -> memref<128x32xf32, #tpu.memory_space<hbm>>
      tpu.wait_dma2 semaphore(%run_scoped3A : memref<!tpu.dma_semaphore, #tpu.memory_space<semaphore_mem>>) src(%arg6 : memref<128x32xf32, #tpu.memory_space<vmem>>) dst(%dma_wait3A_136 : memref<128x32xf32, #tpu.memory_space<hbm>>)
      tpu.yield
    }) : () -> ()
    %add3A_33 = arith.constant 512 : i32
    %add3A_34 = arith.addi %mul3A_2, %add3A_33 : i32
    "tpu.region"() ({
      %run_scoped3A = tpu.sem_alloc : memref<!tpu.dma_semaphore, #tpu.memory_space<semaphore_mem>>
      %dma_start3A_129 = tpu.memref_slice %arg3[%add3A_34] : memref<65536xi32, #tpu.memory_space<hbm>> -> memref<128xi32, #tpu.memory_space<hbm>>
      %dma_start3A_130 = tpu.memref_slice %arg3[%add3A_34] : memref<65536xi32, #tpu.memory_space<hbm>> -> memref<128xi32, #tpu.memory_space<hbm>>
      tpu.enqueue_dma source(%dma_start3A_130 : memref<128xi32, #tpu.memory_space<hbm>>) target(%arg5 : memref<128xi32, #tpu.memory_space<vmem>>) target_semaphore(%run_scoped3A : memref<!tpu.dma_semaphore, #tpu.memory_space<semaphore_mem>>)
      %dma_wait3A_131 = tpu.memref_slice %arg3[%add3A_34] : memref<65536xi32, #tpu.memory_space<hbm>> -> memref<128xi32, #tpu.memory_space<hbm>>
      %dma_wait3A_132 = tpu.memref_slice %arg3[%add3A_34] : memref<65536xi32, #tpu.memory_space<hbm>> -> memref<128xi32, #tpu.memory_space<hbm>>
      tpu.wait_dma2 semaphore(%run_scoped3A : memref<!tpu.dma_semaphore, #tpu.memory_space<semaphore_mem>>) src(%dma_wait3A_132 : memref<128xi32, #tpu.memory_space<hbm>>) dst(%arg5 : memref<128xi32, #tpu.memory_space<vmem>>)
      tpu.yield
    }) : () -> ()
    %dma_start3A_35 = arith.constant 0 : i32
    %dma_start3A_36 = arith.constant 0 : i32
    %dma_start3A_37 = tpu.memref_slice %arg2[%dma_start3A_35, %dma_start3A_36] : memref<8192x32xf32, #tpu.memory_space<hbm>> -> memref<8192x32xf32, #tpu.memory_space<hbm>>
    tpu.enqueue_indirect_dma source(%dma_start3A_37 : memref<8192x32xf32, #tpu.memory_space<hbm>>) target(%arg6 : memref<128x32xf32, #tpu.memory_space<vmem>>) offsets(%arg5 : memref<128xi32, #tpu.memory_space<vmem>>) semaphore(%arg7 : memref<!tpu.dma_semaphore, #tpu.memory_space<semaphore_mem>>)
    %dma_wait3A_38 = arith.constant 0 : i32
    %dma_wait3A_39 = arith.constant 0 : i32
    %dma_wait3A_40 = tpu.memref_slice %arg2[%dma_wait3A_38, %dma_wait3A_39] : memref<8192x32xf32, #tpu.memory_space<hbm>> -> memref<8192x32xf32, #tpu.memory_space<hbm>>
    tpu.wait_indirect_dma semaphore(%arg7 : memref<!tpu.dma_semaphore, #tpu.memory_space<semaphore_mem>>) src(%dma_wait3A_40 : memref<8192x32xf32, #tpu.memory_space<hbm>>) dst(%arg6 : memref<128x32xf32, #tpu.memory_space<vmem>>)
    "tpu.region"() ({
      %run_scoped3A = tpu.sem_alloc : memref<!tpu.dma_semaphore, #tpu.memory_space<semaphore_mem>>
      %dma_start3A_129 = arith.constant 0 : i32
      %dma_start3A_130 = tpu.memref_slice %arg4[%add3A_34, %dma_start3A_129] : memref<65536x32xf32, #tpu.memory_space<hbm>> -> memref<128x32xf32, #tpu.memory_space<hbm>>
      %dma_start3A_131 = arith.constant 0 : i32
      %dma_start3A_132 = tpu.memref_slice %arg4[%add3A_34, %dma_start3A_131] : memref<65536x32xf32, #tpu.memory_space<hbm>> -> memref<128x32xf32, #tpu.memory_space<hbm>>
      tpu.enqueue_dma source(%arg6 : memref<128x32xf32, #tpu.memory_space<vmem>>) target(%dma_start3A_132 : memref<128x32xf32, #tpu.memory_space<hbm>>) target_semaphore(%run_scoped3A : memref<!tpu.dma_semaphore, #tpu.memory_space<semaphore_mem>>)
      %dma_wait3A_133 = arith.constant 0 : i32
      %dma_wait3A_134 = tpu.memref_slice %arg4[%add3A_34, %dma_wait3A_133] : memref<65536x32xf32, #tpu.memory_space<hbm>> -> memref<128x32xf32, #tpu.memory_space<hbm>>
      %dma_wait3A_135 = arith.constant 0 : i32
      %dma_wait3A_136 = tpu.memref_slice %arg4[%add3A_34, %dma_wait3A_135] : memref<65536x32xf32, #tpu.memory_space<hbm>> -> memref<128x32xf32, #tpu.memory_space<hbm>>
      tpu.wait_dma2 semaphore(%run_scoped3A : memref<!tpu.dma_semaphore, #tpu.memory_space<semaphore_mem>>) src(%arg6 : memref<128x32xf32, #tpu.memory_space<vmem>>) dst(%dma_wait3A_136 : memref<128x32xf32, #tpu.memory_space<hbm>>)
      tpu.yield
    }) : () -> ()
    %add3A_41 = arith.constant 640 : i32
    %add3A_42 = arith.addi %mul3A_2, %add3A_41 : i32
    "tpu.region"() ({
      %run_scoped3A = tpu.sem_alloc : memref<!tpu.dma_semaphore, #tpu.memory_space<semaphore_mem>>
      %dma_start3A_129 = tpu.memref_slice %arg3[%add3A_42] : memref<65536xi32, #tpu.memory_space<hbm>> -> memref<128xi32, #tpu.memory_space<hbm>>
      %dma_start3A_130 = tpu.memref_slice %arg3[%add3A_42] : memref<65536xi32, #tpu.memory_space<hbm>> -> memref<128xi32, #tpu.memory_space<hbm>>
      tpu.enqueue_dma source(%dma_start3A_130 : memref<128xi32, #tpu.memory_space<hbm>>) target(%arg5 : memref<128xi32, #tpu.memory_space<vmem>>) target_semaphore(%run_scoped3A : memref<!tpu.dma_semaphore, #tpu.memory_space<semaphore_mem>>)
      %dma_wait3A_131 = tpu.memref_slice %arg3[%add3A_42] : memref<65536xi32, #tpu.memory_space<hbm>> -> memref<128xi32, #tpu.memory_space<hbm>>
      %dma_wait3A_132 = tpu.memref_slice %arg3[%add3A_42] : memref<65536xi32, #tpu.memory_space<hbm>> -> memref<128xi32, #tpu.memory_space<hbm>>
      tpu.wait_dma2 semaphore(%run_scoped3A : memref<!tpu.dma_semaphore, #tpu.memory_space<semaphore_mem>>) src(%dma_wait3A_132 : memref<128xi32, #tpu.memory_space<hbm>>) dst(%arg5 : memref<128xi32, #tpu.memory_space<vmem>>)
      tpu.yield
    }) : () -> ()
    %dma_start3A_43 = arith.constant 0 : i32
    %dma_start3A_44 = arith.constant 0 : i32
    %dma_start3A_45 = tpu.memref_slice %arg2[%dma_start3A_43, %dma_start3A_44] : memref<8192x32xf32, #tpu.memory_space<hbm>> -> memref<8192x32xf32, #tpu.memory_space<hbm>>
    tpu.enqueue_indirect_dma source(%dma_start3A_45 : memref<8192x32xf32, #tpu.memory_space<hbm>>) target(%arg6 : memref<128x32xf32, #tpu.memory_space<vmem>>) offsets(%arg5 : memref<128xi32, #tpu.memory_space<vmem>>) semaphore(%arg7 : memref<!tpu.dma_semaphore, #tpu.memory_space<semaphore_mem>>)
    %dma_wait3A_46 = arith.constant 0 : i32
    %dma_wait3A_47 = arith.constant 0 : i32
    %dma_wait3A_48 = tpu.memref_slice %arg2[%dma_wait3A_46, %dma_wait3A_47] : memref<8192x32xf32, #tpu.memory_space<hbm>> -> memref<8192x32xf32, #tpu.memory_space<hbm>>
    tpu.wait_indirect_dma semaphore(%arg7 : memref<!tpu.dma_semaphore, #tpu.memory_space<semaphore_mem>>) src(%dma_wait3A_48 : memref<8192x32xf32, #tpu.memory_space<hbm>>) dst(%arg6 : memref<128x32xf32, #tpu.memory_space<vmem>>)
    "tpu.region"() ({
      %run_scoped3A = tpu.sem_alloc : memref<!tpu.dma_semaphore, #tpu.memory_space<semaphore_mem>>
      %dma_start3A_129 = arith.constant 0 : i32
      %dma_start3A_130 = tpu.memref_slice %arg4[%add3A_42, %dma_start3A_129] : memref<65536x32xf32, #tpu.memory_space<hbm>> -> memref<128x32xf32, #tpu.memory_space<hbm>>
      %dma_start3A_131 = arith.constant 0 : i32
      %dma_start3A_132 = tpu.memref_slice %arg4[%add3A_42, %dma_start3A_131] : memref<65536x32xf32, #tpu.memory_space<hbm>> -> memref<128x32xf32, #tpu.memory_space<hbm>>
      tpu.enqueue_dma source(%arg6 : memref<128x32xf32, #tpu.memory_space<vmem>>) target(%dma_start3A_132 : memref<128x32xf32, #tpu.memory_space<hbm>>) target_semaphore(%run_scoped3A : memref<!tpu.dma_semaphore, #tpu.memory_space<semaphore_mem>>)
      %dma_wait3A_133 = arith.constant 0 : i32
      %dma_wait3A_134 = tpu.memref_slice %arg4[%add3A_42, %dma_wait3A_133] : memref<65536x32xf32, #tpu.memory_space<hbm>> -> memref<128x32xf32, #tpu.memory_space<hbm>>
      %dma_wait3A_135 = arith.constant 0 : i32
      %dma_wait3A_136 = tpu.memref_slice %arg4[%add3A_42, %dma_wait3A_135] : memref<65536x32xf32, #tpu.memory_space<hbm>> -> memref<128x32xf32, #tpu.memory_space<hbm>>
      tpu.wait_dma2 semaphore(%run_scoped3A : memref<!tpu.dma_semaphore, #tpu.memory_space<semaphore_mem>>) src(%arg6 : memref<128x32xf32, #tpu.memory_space<vmem>>) dst(%dma_wait3A_136 : memref<128x32xf32, #tpu.memory_space<hbm>>)
      tpu.yield
    }) : () -> ()
    %add3A_49 = arith.constant 768 : i32
    %add3A_50 = arith.addi %mul3A_2, %add3A_49 : i32
    "tpu.region"() ({
      %run_scoped3A = tpu.sem_alloc : memref<!tpu.dma_semaphore, #tpu.memory_space<semaphore_mem>>
      %dma_start3A_129 = tpu.memref_slice %arg3[%add3A_50] : memref<65536xi32, #tpu.memory_space<hbm>> -> memref<128xi32, #tpu.memory_space<hbm>>
      %dma_start3A_130 = tpu.memref_slice %arg3[%add3A_50] : memref<65536xi32, #tpu.memory_space<hbm>> -> memref<128xi32, #tpu.memory_space<hbm>>
      tpu.enqueue_dma source(%dma_start3A_130 : memref<128xi32, #tpu.memory_space<hbm>>) target(%arg5 : memref<128xi32, #tpu.memory_space<vmem>>) target_semaphore(%run_scoped3A : memref<!tpu.dma_semaphore, #tpu.memory_space<semaphore_mem>>)
      %dma_wait3A_131 = tpu.memref_slice %arg3[%add3A_50] : memref<65536xi32, #tpu.memory_space<hbm>> -> memref<128xi32, #tpu.memory_space<hbm>>
      %dma_wait3A_132 = tpu.memref_slice %arg3[%add3A_50] : memref<65536xi32, #tpu.memory_space<hbm>> -> memref<128xi32, #tpu.memory_space<hbm>>
      tpu.wait_dma2 semaphore(%run_scoped3A : memref<!tpu.dma_semaphore, #tpu.memory_space<semaphore_mem>>) src(%dma_wait3A_132 : memref<128xi32, #tpu.memory_space<hbm>>) dst(%arg5 : memref<128xi32, #tpu.memory_space<vmem>>)
      tpu.yield
    }) : () -> ()
    %dma_start3A_51 = arith.constant 0 : i32
    %dma_start3A_52 = arith.constant 0 : i32
    %dma_start3A_53 = tpu.memref_slice %arg2[%dma_start3A_51, %dma_start3A_52] : memref<8192x32xf32, #tpu.memory_space<hbm>> -> memref<8192x32xf32, #tpu.memory_space<hbm>>
    tpu.enqueue_indirect_dma source(%dma_start3A_53 : memref<8192x32xf32, #tpu.memory_space<hbm>>) target(%arg6 : memref<128x32xf32, #tpu.memory_space<vmem>>) offsets(%arg5 : memref<128xi32, #tpu.memory_space<vmem>>) semaphore(%arg7 : memref<!tpu.dma_semaphore, #tpu.memory_space<semaphore_mem>>)
    %dma_wait3A_54 = arith.constant 0 : i32
    %dma_wait3A_55 = arith.constant 0 : i32
    %dma_wait3A_56 = tpu.memref_slice %arg2[%dma_wait3A_54, %dma_wait3A_55] : memref<8192x32xf32, #tpu.memory_space<hbm>> -> memref<8192x32xf32, #tpu.memory_space<hbm>>
    tpu.wait_indirect_dma semaphore(%arg7 : memref<!tpu.dma_semaphore, #tpu.memory_space<semaphore_mem>>) src(%dma_wait3A_56 : memref<8192x32xf32, #tpu.memory_space<hbm>>) dst(%arg6 : memref<128x32xf32, #tpu.memory_space<vmem>>)
    "tpu.region"() ({
      %run_scoped3A = tpu.sem_alloc : memref<!tpu.dma_semaphore, #tpu.memory_space<semaphore_mem>>
      %dma_start3A_129 = arith.constant 0 : i32
      %dma_start3A_130 = tpu.memref_slice %arg4[%add3A_50, %dma_start3A_129] : memref<65536x32xf32, #tpu.memory_space<hbm>> -> memref<128x32xf32, #tpu.memory_space<hbm>>
      %dma_start3A_131 = arith.constant 0 : i32
      %dma_start3A_132 = tpu.memref_slice %arg4[%add3A_50, %dma_start3A_131] : memref<65536x32xf32, #tpu.memory_space<hbm>> -> memref<128x32xf32, #tpu.memory_space<hbm>>
      tpu.enqueue_dma source(%arg6 : memref<128x32xf32, #tpu.memory_space<vmem>>) target(%dma_start3A_132 : memref<128x32xf32, #tpu.memory_space<hbm>>) target_semaphore(%run_scoped3A : memref<!tpu.dma_semaphore, #tpu.memory_space<semaphore_mem>>)
      %dma_wait3A_133 = arith.constant 0 : i32
      %dma_wait3A_134 = tpu.memref_slice %arg4[%add3A_50, %dma_wait3A_133] : memref<65536x32xf32, #tpu.memory_space<hbm>> -> memref<128x32xf32, #tpu.memory_space<hbm>>
      %dma_wait3A_135 = arith.constant 0 : i32
      %dma_wait3A_136 = tpu.memref_slice %arg4[%add3A_50, %dma_wait3A_135] : memref<65536x32xf32, #tpu.memory_space<hbm>> -> memref<128x32xf32, #tpu.memory_space<hbm>>
      tpu.wait_dma2 semaphore(%run_scoped3A : memref<!tpu.dma_semaphore, #tpu.memory_space<semaphore_mem>>) src(%arg6 : memref<128x32xf32, #tpu.memory_space<vmem>>) dst(%dma_wait3A_136 : memref<128x32xf32, #tpu.memory_space<hbm>>)
      tpu.yield
    }) : () -> ()
    %add3A_57 = arith.constant 896 : i32
    %add3A_58 = arith.addi %mul3A_2, %add3A_57 : i32
    "tpu.region"() ({
      %run_scoped3A = tpu.sem_alloc : memref<!tpu.dma_semaphore, #tpu.memory_space<semaphore_mem>>
      %dma_start3A_129 = tpu.memref_slice %arg3[%add3A_58] : memref<65536xi32, #tpu.memory_space<hbm>> -> memref<128xi32, #tpu.memory_space<hbm>>
      %dma_start3A_130 = tpu.memref_slice %arg3[%add3A_58] : memref<65536xi32, #tpu.memory_space<hbm>> -> memref<128xi32, #tpu.memory_space<hbm>>
      tpu.enqueue_dma source(%dma_start3A_130 : memref<128xi32, #tpu.memory_space<hbm>>) target(%arg5 : memref<128xi32, #tpu.memory_space<vmem>>) target_semaphore(%run_scoped3A : memref<!tpu.dma_semaphore, #tpu.memory_space<semaphore_mem>>)
      %dma_wait3A_131 = tpu.memref_slice %arg3[%add3A_58] : memref<65536xi32, #tpu.memory_space<hbm>> -> memref<128xi32, #tpu.memory_space<hbm>>
      %dma_wait3A_132 = tpu.memref_slice %arg3[%add3A_58] : memref<65536xi32, #tpu.memory_space<hbm>> -> memref<128xi32, #tpu.memory_space<hbm>>
      tpu.wait_dma2 semaphore(%run_scoped3A : memref<!tpu.dma_semaphore, #tpu.memory_space<semaphore_mem>>) src(%dma_wait3A_132 : memref<128xi32, #tpu.memory_space<hbm>>) dst(%arg5 : memref<128xi32, #tpu.memory_space<vmem>>)
      tpu.yield
    }) : () -> ()
    %dma_start3A_59 = arith.constant 0 : i32
    %dma_start3A_60 = arith.constant 0 : i32
    %dma_start3A_61 = tpu.memref_slice %arg2[%dma_start3A_59, %dma_start3A_60] : memref<8192x32xf32, #tpu.memory_space<hbm>> -> memref<8192x32xf32, #tpu.memory_space<hbm>>
    tpu.enqueue_indirect_dma source(%dma_start3A_61 : memref<8192x32xf32, #tpu.memory_space<hbm>>) target(%arg6 : memref<128x32xf32, #tpu.memory_space<vmem>>) offsets(%arg5 : memref<128xi32, #tpu.memory_space<vmem>>) semaphore(%arg7 : memref<!tpu.dma_semaphore, #tpu.memory_space<semaphore_mem>>)
    %dma_wait3A_62 = arith.constant 0 : i32
    %dma_wait3A_63 = arith.constant 0 : i32
    %dma_wait3A_64 = tpu.memref_slice %arg2[%dma_wait3A_62, %dma_wait3A_63] : memref<8192x32xf32, #tpu.memory_space<hbm>> -> memref<8192x32xf32, #tpu.memory_space<hbm>>
    tpu.wait_indirect_dma semaphore(%arg7 : memref<!tpu.dma_semaphore, #tpu.memory_space<semaphore_mem>>) src(%dma_wait3A_64 : memref<8192x32xf32, #tpu.memory_space<hbm>>) dst(%arg6 : memref<128x32xf32, #tpu.memory_space<vmem>>)
    "tpu.region"() ({
      %run_scoped3A = tpu.sem_alloc : memref<!tpu.dma_semaphore, #tpu.memory_space<semaphore_mem>>
      %dma_start3A_129 = arith.constant 0 : i32
      %dma_start3A_130 = tpu.memref_slice %arg4[%add3A_58, %dma_start3A_129] : memref<65536x32xf32, #tpu.memory_space<hbm>> -> memref<128x32xf32, #tpu.memory_space<hbm>>
      %dma_start3A_131 = arith.constant 0 : i32
      %dma_start3A_132 = tpu.memref_slice %arg4[%add3A_58, %dma_start3A_131] : memref<65536x32xf32, #tpu.memory_space<hbm>> -> memref<128x32xf32, #tpu.memory_space<hbm>>
      tpu.enqueue_dma source(%arg6 : memref<128x32xf32, #tpu.memory_space<vmem>>) target(%dma_start3A_132 : memref<128x32xf32, #tpu.memory_space<hbm>>) target_semaphore(%run_scoped3A : memref<!tpu.dma_semaphore, #tpu.memory_space<semaphore_mem>>)
      %dma_wait3A_133 = arith.constant 0 : i32
      %dma_wait3A_134 = tpu.memref_slice %arg4[%add3A_58, %dma_wait3A_133] : memref<65536x32xf32, #tpu.memory_space<hbm>> -> memref<128x32xf32, #tpu.memory_space<hbm>>
      %dma_wait3A_135 = arith.constant 0 : i32
      %dma_wait3A_136 = tpu.memref_slice %arg4[%add3A_58, %dma_wait3A_135] : memref<65536x32xf32, #tpu.memory_space<hbm>> -> memref<128x32xf32, #tpu.memory_space<hbm>>
      tpu.wait_dma2 semaphore(%run_scoped3A : memref<!tpu.dma_semaphore, #tpu.memory_space<semaphore_mem>>) src(%arg6 : memref<128x32xf32, #tpu.memory_space<vmem>>) dst(%dma_wait3A_136 : memref<128x32xf32, #tpu.memory_space<hbm>>)
      tpu.yield
    }) : () -> ()
    %add3A_65 = arith.constant 1024 : i32
    %add3A_66 = arith.addi %mul3A_2, %add3A_65 : i32
    "tpu.region"() ({
      %run_scoped3A = tpu.sem_alloc : memref<!tpu.dma_semaphore, #tpu.memory_space<semaphore_mem>>
      %dma_start3A_129 = tpu.memref_slice %arg3[%add3A_66] : memref<65536xi32, #tpu.memory_space<hbm>> -> memref<128xi32, #tpu.memory_space<hbm>>
      %dma_start3A_130 = tpu.memref_slice %arg3[%add3A_66] : memref<65536xi32, #tpu.memory_space<hbm>> -> memref<128xi32, #tpu.memory_space<hbm>>
      tpu.enqueue_dma source(%dma_start3A_130 : memref<128xi32, #tpu.memory_space<hbm>>) target(%arg5 : memref<128xi32, #tpu.memory_space<vmem>>) target_semaphore(%run_scoped3A : memref<!tpu.dma_semaphore, #tpu.memory_space<semaphore_mem>>)
      %dma_wait3A_131 = tpu.memref_slice %arg3[%add3A_66] : memref<65536xi32, #tpu.memory_space<hbm>> -> memref<128xi32, #tpu.memory_space<hbm>>
      %dma_wait3A_132 = tpu.memref_slice %arg3[%add3A_66] : memref<65536xi32, #tpu.memory_space<hbm>> -> memref<128xi32, #tpu.memory_space<hbm>>
      tpu.wait_dma2 semaphore(%run_scoped3A : memref<!tpu.dma_semaphore, #tpu.memory_space<semaphore_mem>>) src(%dma_wait3A_132 : memref<128xi32, #tpu.memory_space<hbm>>) dst(%arg5 : memref<128xi32, #tpu.memory_space<vmem>>)
      tpu.yield
    }) : () -> ()
    %dma_start3A_67 = arith.constant 0 : i32
    %dma_start3A_68 = arith.constant 0 : i32
    %dma_start3A_69 = tpu.memref_slice %arg2[%dma_start3A_67, %dma_start3A_68] : memref<8192x32xf32, #tpu.memory_space<hbm>> -> memref<8192x32xf32, #tpu.memory_space<hbm>>
    tpu.enqueue_indirect_dma source(%dma_start3A_69 : memref<8192x32xf32, #tpu.memory_space<hbm>>) target(%arg6 : memref<128x32xf32, #tpu.memory_space<vmem>>) offsets(%arg5 : memref<128xi32, #tpu.memory_space<vmem>>) semaphore(%arg7 : memref<!tpu.dma_semaphore, #tpu.memory_space<semaphore_mem>>)
    %dma_wait3A_70 = arith.constant 0 : i32
    %dma_wait3A_71 = arith.constant 0 : i32
    %dma_wait3A_72 = tpu.memref_slice %arg2[%dma_wait3A_70, %dma_wait3A_71] : memref<8192x32xf32, #tpu.memory_space<hbm>> -> memref<8192x32xf32, #tpu.memory_space<hbm>>
    tpu.wait_indirect_dma semaphore(%arg7 : memref<!tpu.dma_semaphore, #tpu.memory_space<semaphore_mem>>) src(%dma_wait3A_72 : memref<8192x32xf32, #tpu.memory_space<hbm>>) dst(%arg6 : memref<128x32xf32, #tpu.memory_space<vmem>>)
    "tpu.region"() ({
      %run_scoped3A = tpu.sem_alloc : memref<!tpu.dma_semaphore, #tpu.memory_space<semaphore_mem>>
      %dma_start3A_129 = arith.constant 0 : i32
      %dma_start3A_130 = tpu.memref_slice %arg4[%add3A_66, %dma_start3A_129] : memref<65536x32xf32, #tpu.memory_space<hbm>> -> memref<128x32xf32, #tpu.memory_space<hbm>>
      %dma_start3A_131 = arith.constant 0 : i32
      %dma_start3A_132 = tpu.memref_slice %arg4[%add3A_66, %dma_start3A_131] : memref<65536x32xf32, #tpu.memory_space<hbm>> -> memref<128x32xf32, #tpu.memory_space<hbm>>
      tpu.enqueue_dma source(%arg6 : memref<128x32xf32, #tpu.memory_space<vmem>>) target(%dma_start3A_132 : memref<128x32xf32, #tpu.memory_space<hbm>>) target_semaphore(%run_scoped3A : memref<!tpu.dma_semaphore, #tpu.memory_space<semaphore_mem>>)
      %dma_wait3A_133 = arith.constant 0 : i32
      %dma_wait3A_134 = tpu.memref_slice %arg4[%add3A_66, %dma_wait3A_133] : memref<65536x32xf32, #tpu.memory_space<hbm>> -> memref<128x32xf32, #tpu.memory_space<hbm>>
      %dma_wait3A_135 = arith.constant 0 : i32
      %dma_wait3A_136 = tpu.memref_slice %arg4[%add3A_66, %dma_wait3A_135] : memref<65536x32xf32, #tpu.memory_space<hbm>> -> memref<128x32xf32, #tpu.memory_space<hbm>>
      tpu.wait_dma2 semaphore(%run_scoped3A : memref<!tpu.dma_semaphore, #tpu.memory_space<semaphore_mem>>) src(%arg6 : memref<128x32xf32, #tpu.memory_space<vmem>>) dst(%dma_wait3A_136 : memref<128x32xf32, #tpu.memory_space<hbm>>)
      tpu.yield
    }) : () -> ()
    %add3A_73 = arith.constant 1152 : i32
    %add3A_74 = arith.addi %mul3A_2, %add3A_73 : i32
    "tpu.region"() ({
      %run_scoped3A = tpu.sem_alloc : memref<!tpu.dma_semaphore, #tpu.memory_space<semaphore_mem>>
      %dma_start3A_129 = tpu.memref_slice %arg3[%add3A_74] : memref<65536xi32, #tpu.memory_space<hbm>> -> memref<128xi32, #tpu.memory_space<hbm>>
      %dma_start3A_130 = tpu.memref_slice %arg3[%add3A_74] : memref<65536xi32, #tpu.memory_space<hbm>> -> memref<128xi32, #tpu.memory_space<hbm>>
      tpu.enqueue_dma source(%dma_start3A_130 : memref<128xi32, #tpu.memory_space<hbm>>) target(%arg5 : memref<128xi32, #tpu.memory_space<vmem>>) target_semaphore(%run_scoped3A : memref<!tpu.dma_semaphore, #tpu.memory_space<semaphore_mem>>)
      %dma_wait3A_131 = tpu.memref_slice %arg3[%add3A_74] : memref<65536xi32, #tpu.memory_space<hbm>> -> memref<128xi32, #tpu.memory_space<hbm>>
      %dma_wait3A_132 = tpu.memref_slice %arg3[%add3A_74] : memref<65536xi32, #tpu.memory_space<hbm>> -> memref<128xi32, #tpu.memory_space<hbm>>
      tpu.wait_dma2 semaphore(%run_scoped3A : memref<!tpu.dma_semaphore, #tpu.memory_space<semaphore_mem>>) src(%dma_wait3A_132 : memref<128xi32, #tpu.memory_space<hbm>>) dst(%arg5 : memref<128xi32, #tpu.memory_space<vmem>>)
      tpu.yield
    }) : () -> ()
    %dma_start3A_75 = arith.constant 0 : i32
    %dma_start3A_76 = arith.constant 0 : i32
    %dma_start3A_77 = tpu.memref_slice %arg2[%dma_start3A_75, %dma_start3A_76] : memref<8192x32xf32, #tpu.memory_space<hbm>> -> memref<8192x32xf32, #tpu.memory_space<hbm>>
    tpu.enqueue_indirect_dma source(%dma_start3A_77 : memref<8192x32xf32, #tpu.memory_space<hbm>>) target(%arg6 : memref<128x32xf32, #tpu.memory_space<vmem>>) offsets(%arg5 : memref<128xi32, #tpu.memory_space<vmem>>) semaphore(%arg7 : memref<!tpu.dma_semaphore, #tpu.memory_space<semaphore_mem>>)
    %dma_wait3A_78 = arith.constant 0 : i32
    %dma_wait3A_79 = arith.constant 0 : i32
    %dma_wait3A_80 = tpu.memref_slice %arg2[%dma_wait3A_78, %dma_wait3A_79] : memref<8192x32xf32, #tpu.memory_space<hbm>> -> memref<8192x32xf32, #tpu.memory_space<hbm>>
    tpu.wait_indirect_dma semaphore(%arg7 : memref<!tpu.dma_semaphore, #tpu.memory_space<semaphore_mem>>) src(%dma_wait3A_80 : memref<8192x32xf32, #tpu.memory_space<hbm>>) dst(%arg6 : memref<128x32xf32, #tpu.memory_space<vmem>>)
    "tpu.region"() ({
      %run_scoped3A = tpu.sem_alloc : memref<!tpu.dma_semaphore, #tpu.memory_space<semaphore_mem>>
      %dma_start3A_129 = arith.constant 0 : i32
      %dma_start3A_130 = tpu.memref_slice %arg4[%add3A_74, %dma_start3A_129] : memref<65536x32xf32, #tpu.memory_space<hbm>> -> memref<128x32xf32, #tpu.memory_space<hbm>>
      %dma_start3A_131 = arith.constant 0 : i32
      %dma_start3A_132 = tpu.memref_slice %arg4[%add3A_74, %dma_start3A_131] : memref<65536x32xf32, #tpu.memory_space<hbm>> -> memref<128x32xf32, #tpu.memory_space<hbm>>
      tpu.enqueue_dma source(%arg6 : memref<128x32xf32, #tpu.memory_space<vmem>>) target(%dma_start3A_132 : memref<128x32xf32, #tpu.memory_space<hbm>>) target_semaphore(%run_scoped3A : memref<!tpu.dma_semaphore, #tpu.memory_space<semaphore_mem>>)
      %dma_wait3A_133 = arith.constant 0 : i32
      %dma_wait3A_134 = tpu.memref_slice %arg4[%add3A_74, %dma_wait3A_133] : memref<65536x32xf32, #tpu.memory_space<hbm>> -> memref<128x32xf32, #tpu.memory_space<hbm>>
      %dma_wait3A_135 = arith.constant 0 : i32
      %dma_wait3A_136 = tpu.memref_slice %arg4[%add3A_74, %dma_wait3A_135] : memref<65536x32xf32, #tpu.memory_space<hbm>> -> memref<128x32xf32, #tpu.memory_space<hbm>>
      tpu.wait_dma2 semaphore(%run_scoped3A : memref<!tpu.dma_semaphore, #tpu.memory_space<semaphore_mem>>) src(%arg6 : memref<128x32xf32, #tpu.memory_space<vmem>>) dst(%dma_wait3A_136 : memref<128x32xf32, #tpu.memory_space<hbm>>)
      tpu.yield
    }) : () -> ()
    %add3A_81 = arith.constant 1280 : i32
    %add3A_82 = arith.addi %mul3A_2, %add3A_81 : i32
    "tpu.region"() ({
      %run_scoped3A = tpu.sem_alloc : memref<!tpu.dma_semaphore, #tpu.memory_space<semaphore_mem>>
      %dma_start3A_129 = tpu.memref_slice %arg3[%add3A_82] : memref<65536xi32, #tpu.memory_space<hbm>> -> memref<128xi32, #tpu.memory_space<hbm>>
      %dma_start3A_130 = tpu.memref_slice %arg3[%add3A_82] : memref<65536xi32, #tpu.memory_space<hbm>> -> memref<128xi32, #tpu.memory_space<hbm>>
      tpu.enqueue_dma source(%dma_start3A_130 : memref<128xi32, #tpu.memory_space<hbm>>) target(%arg5 : memref<128xi32, #tpu.memory_space<vmem>>) target_semaphore(%run_scoped3A : memref<!tpu.dma_semaphore, #tpu.memory_space<semaphore_mem>>)
      %dma_wait3A_131 = tpu.memref_slice %arg3[%add3A_82] : memref<65536xi32, #tpu.memory_space<hbm>> -> memref<128xi32, #tpu.memory_space<hbm>>
      %dma_wait3A_132 = tpu.memref_slice %arg3[%add3A_82] : memref<65536xi32, #tpu.memory_space<hbm>> -> memref<128xi32, #tpu.memory_space<hbm>>
      tpu.wait_dma2 semaphore(%run_scoped3A : memref<!tpu.dma_semaphore, #tpu.memory_space<semaphore_mem>>) src(%dma_wait3A_132 : memref<128xi32, #tpu.memory_space<hbm>>) dst(%arg5 : memref<128xi32, #tpu.memory_space<vmem>>)
      tpu.yield
    }) : () -> ()
    %dma_start3A_83 = arith.constant 0 : i32
    %dma_start3A_84 = arith.constant 0 : i32
    %dma_start3A_85 = tpu.memref_slice %arg2[%dma_start3A_83, %dma_start3A_84] : memref<8192x32xf32, #tpu.memory_space<hbm>> -> memref<8192x32xf32, #tpu.memory_space<hbm>>
    tpu.enqueue_indirect_dma source(%dma_start3A_85 : memref<8192x32xf32, #tpu.memory_space<hbm>>) target(%arg6 : memref<128x32xf32, #tpu.memory_space<vmem>>) offsets(%arg5 : memref<128xi32, #tpu.memory_space<vmem>>) semaphore(%arg7 : memref<!tpu.dma_semaphore, #tpu.memory_space<semaphore_mem>>)
    %dma_wait3A_86 = arith.constant 0 : i32
    %dma_wait3A_87 = arith.constant 0 : i32
    %dma_wait3A_88 = tpu.memref_slice %arg2[%dma_wait3A_86, %dma_wait3A_87] : memref<8192x32xf32, #tpu.memory_space<hbm>> -> memref<8192x32xf32, #tpu.memory_space<hbm>>
    tpu.wait_indirect_dma semaphore(%arg7 : memref<!tpu.dma_semaphore, #tpu.memory_space<semaphore_mem>>) src(%dma_wait3A_88 : memref<8192x32xf32, #tpu.memory_space<hbm>>) dst(%arg6 : memref<128x32xf32, #tpu.memory_space<vmem>>)
    "tpu.region"() ({
      %run_scoped3A = tpu.sem_alloc : memref<!tpu.dma_semaphore, #tpu.memory_space<semaphore_mem>>
      %dma_start3A_129 = arith.constant 0 : i32
      %dma_start3A_130 = tpu.memref_slice %arg4[%add3A_82, %dma_start3A_129] : memref<65536x32xf32, #tpu.memory_space<hbm>> -> memref<128x32xf32, #tpu.memory_space<hbm>>
      %dma_start3A_131 = arith.constant 0 : i32
      %dma_start3A_132 = tpu.memref_slice %arg4[%add3A_82, %dma_start3A_131] : memref<65536x32xf32, #tpu.memory_space<hbm>> -> memref<128x32xf32, #tpu.memory_space<hbm>>
      tpu.enqueue_dma source(%arg6 : memref<128x32xf32, #tpu.memory_space<vmem>>) target(%dma_start3A_132 : memref<128x32xf32, #tpu.memory_space<hbm>>) target_semaphore(%run_scoped3A : memref<!tpu.dma_semaphore, #tpu.memory_space<semaphore_mem>>)
      %dma_wait3A_133 = arith.constant 0 : i32
      %dma_wait3A_134 = tpu.memref_slice %arg4[%add3A_82, %dma_wait3A_133] : memref<65536x32xf32, #tpu.memory_space<hbm>> -> memref<128x32xf32, #tpu.memory_space<hbm>>
      %dma_wait3A_135 = arith.constant 0 : i32
      %dma_wait3A_136 = tpu.memref_slice %arg4[%add3A_82, %dma_wait3A_135] : memref<65536x32xf32, #tpu.memory_space<hbm>> -> memref<128x32xf32, #tpu.memory_space<hbm>>
      tpu.wait_dma2 semaphore(%run_scoped3A : memref<!tpu.dma_semaphore, #tpu.memory_space<semaphore_mem>>) src(%arg6 : memref<128x32xf32, #tpu.memory_space<vmem>>) dst(%dma_wait3A_136 : memref<128x32xf32, #tpu.memory_space<hbm>>)
      tpu.yield
    }) : () -> ()
    %add3A_89 = arith.constant 1408 : i32
    %add3A_90 = arith.addi %mul3A_2, %add3A_89 : i32
    "tpu.region"() ({
      %run_scoped3A = tpu.sem_alloc : memref<!tpu.dma_semaphore, #tpu.memory_space<semaphore_mem>>
      %dma_start3A_129 = tpu.memref_slice %arg3[%add3A_90] : memref<65536xi32, #tpu.memory_space<hbm>> -> memref<128xi32, #tpu.memory_space<hbm>>
      %dma_start3A_130 = tpu.memref_slice %arg3[%add3A_90] : memref<65536xi32, #tpu.memory_space<hbm>> -> memref<128xi32, #tpu.memory_space<hbm>>
      tpu.enqueue_dma source(%dma_start3A_130 : memref<128xi32, #tpu.memory_space<hbm>>) target(%arg5 : memref<128xi32, #tpu.memory_space<vmem>>) target_semaphore(%run_scoped3A : memref<!tpu.dma_semaphore, #tpu.memory_space<semaphore_mem>>)
      %dma_wait3A_131 = tpu.memref_slice %arg3[%add3A_90] : memref<65536xi32, #tpu.memory_space<hbm>> -> memref<128xi32, #tpu.memory_space<hbm>>
      %dma_wait3A_132 = tpu.memref_slice %arg3[%add3A_90] : memref<65536xi32, #tpu.memory_space<hbm>> -> memref<128xi32, #tpu.memory_space<hbm>>
      tpu.wait_dma2 semaphore(%run_scoped3A : memref<!tpu.dma_semaphore, #tpu.memory_space<semaphore_mem>>) src(%dma_wait3A_132 : memref<128xi32, #tpu.memory_space<hbm>>) dst(%arg5 : memref<128xi32, #tpu.memory_space<vmem>>)
      tpu.yield
    }) : () -> ()
    %dma_start3A_91 = arith.constant 0 : i32
    %dma_start3A_92 = arith.constant 0 : i32
    %dma_start3A_93 = tpu.memref_slice %arg2[%dma_start3A_91, %dma_start3A_92] : memref<8192x32xf32, #tpu.memory_space<hbm>> -> memref<8192x32xf32, #tpu.memory_space<hbm>>
    tpu.enqueue_indirect_dma source(%dma_start3A_93 : memref<8192x32xf32, #tpu.memory_space<hbm>>) target(%arg6 : memref<128x32xf32, #tpu.memory_space<vmem>>) offsets(%arg5 : memref<128xi32, #tpu.memory_space<vmem>>) semaphore(%arg7 : memref<!tpu.dma_semaphore, #tpu.memory_space<semaphore_mem>>)
    %dma_wait3A_94 = arith.constant 0 : i32
    %dma_wait3A_95 = arith.constant 0 : i32
    %dma_wait3A_96 = tpu.memref_slice %arg2[%dma_wait3A_94, %dma_wait3A_95] : memref<8192x32xf32, #tpu.memory_space<hbm>> -> memref<8192x32xf32, #tpu.memory_space<hbm>>
    tpu.wait_indirect_dma semaphore(%arg7 : memref<!tpu.dma_semaphore, #tpu.memory_space<semaphore_mem>>) src(%dma_wait3A_96 : memref<8192x32xf32, #tpu.memory_space<hbm>>) dst(%arg6 : memref<128x32xf32, #tpu.memory_space<vmem>>)
    "tpu.region"() ({
      %run_scoped3A = tpu.sem_alloc : memref<!tpu.dma_semaphore, #tpu.memory_space<semaphore_mem>>
      %dma_start3A_129 = arith.constant 0 : i32
      %dma_start3A_130 = tpu.memref_slice %arg4[%add3A_90, %dma_start3A_129] : memref<65536x32xf32, #tpu.memory_space<hbm>> -> memref<128x32xf32, #tpu.memory_space<hbm>>
      %dma_start3A_131 = arith.constant 0 : i32
      %dma_start3A_132 = tpu.memref_slice %arg4[%add3A_90, %dma_start3A_131] : memref<65536x32xf32, #tpu.memory_space<hbm>> -> memref<128x32xf32, #tpu.memory_space<hbm>>
      tpu.enqueue_dma source(%arg6 : memref<128x32xf32, #tpu.memory_space<vmem>>) target(%dma_start3A_132 : memref<128x32xf32, #tpu.memory_space<hbm>>) target_semaphore(%run_scoped3A : memref<!tpu.dma_semaphore, #tpu.memory_space<semaphore_mem>>)
      %dma_wait3A_133 = arith.constant 0 : i32
      %dma_wait3A_134 = tpu.memref_slice %arg4[%add3A_90, %dma_wait3A_133] : memref<65536x32xf32, #tpu.memory_space<hbm>> -> memref<128x32xf32, #tpu.memory_space<hbm>>
      %dma_wait3A_135 = arith.constant 0 : i32
      %dma_wait3A_136 = tpu.memref_slice %arg4[%add3A_90, %dma_wait3A_135] : memref<65536x32xf32, #tpu.memory_space<hbm>> -> memref<128x32xf32, #tpu.memory_space<hbm>>
      tpu.wait_dma2 semaphore(%run_scoped3A : memref<!tpu.dma_semaphore, #tpu.memory_space<semaphore_mem>>) src(%arg6 : memref<128x32xf32, #tpu.memory_space<vmem>>) dst(%dma_wait3A_136 : memref<128x32xf32, #tpu.memory_space<hbm>>)
      tpu.yield
    }) : () -> ()
    %add3A_97 = arith.constant 1536 : i32
    %add3A_98 = arith.addi %mul3A_2, %add3A_97 : i32
    "tpu.region"() ({
      %run_scoped3A = tpu.sem_alloc : memref<!tpu.dma_semaphore, #tpu.memory_space<semaphore_mem>>
      %dma_start3A_129 = tpu.memref_slice %arg3[%add3A_98] : memref<65536xi32, #tpu.memory_space<hbm>> -> memref<128xi32, #tpu.memory_space<hbm>>
      %dma_start3A_130 = tpu.memref_slice %arg3[%add3A_98] : memref<65536xi32, #tpu.memory_space<hbm>> -> memref<128xi32, #tpu.memory_space<hbm>>
      tpu.enqueue_dma source(%dma_start3A_130 : memref<128xi32, #tpu.memory_space<hbm>>) target(%arg5 : memref<128xi32, #tpu.memory_space<vmem>>) target_semaphore(%run_scoped3A : memref<!tpu.dma_semaphore, #tpu.memory_space<semaphore_mem>>)
      %dma_wait3A_131 = tpu.memref_slice %arg3[%add3A_98] : memref<65536xi32, #tpu.memory_space<hbm>> -> memref<128xi32, #tpu.memory_space<hbm>>
      %dma_wait3A_132 = tpu.memref_slice %arg3[%add3A_98] : memref<65536xi32, #tpu.memory_space<hbm>> -> memref<128xi32, #tpu.memory_space<hbm>>
      tpu.wait_dma2 semaphore(%run_scoped3A : memref<!tpu.dma_semaphore, #tpu.memory_space<semaphore_mem>>) src(%dma_wait3A_132 : memref<128xi32, #tpu.memory_space<hbm>>) dst(%arg5 : memref<128xi32, #tpu.memory_space<vmem>>)
      tpu.yield
    }) : () -> ()
    %dma_start3A_99 = arith.constant 0 : i32
    %dma_start3A_100 = arith.constant 0 : i32
    %dma_start3A_101 = tpu.memref_slice %arg2[%dma_start3A_99, %dma_start3A_100] : memref<8192x32xf32, #tpu.memory_space<hbm>> -> memref<8192x32xf32, #tpu.memory_space<hbm>>
    tpu.enqueue_indirect_dma source(%dma_start3A_101 : memref<8192x32xf32, #tpu.memory_space<hbm>>) target(%arg6 : memref<128x32xf32, #tpu.memory_space<vmem>>) offsets(%arg5 : memref<128xi32, #tpu.memory_space<vmem>>) semaphore(%arg7 : memref<!tpu.dma_semaphore, #tpu.memory_space<semaphore_mem>>)
    %dma_wait3A_102 = arith.constant 0 : i32
    %dma_wait3A_103 = arith.constant 0 : i32
    %dma_wait3A_104 = tpu.memref_slice %arg2[%dma_wait3A_102, %dma_wait3A_103] : memref<8192x32xf32, #tpu.memory_space<hbm>> -> memref<8192x32xf32, #tpu.memory_space<hbm>>
    tpu.wait_indirect_dma semaphore(%arg7 : memref<!tpu.dma_semaphore, #tpu.memory_space<semaphore_mem>>) src(%dma_wait3A_104 : memref<8192x32xf32, #tpu.memory_space<hbm>>) dst(%arg6 : memref<128x32xf32, #tpu.memory_space<vmem>>)
    "tpu.region"() ({
      %run_scoped3A = tpu.sem_alloc : memref<!tpu.dma_semaphore, #tpu.memory_space<semaphore_mem>>
      %dma_start3A_129 = arith.constant 0 : i32
      %dma_start3A_130 = tpu.memref_slice %arg4[%add3A_98, %dma_start3A_129] : memref<65536x32xf32, #tpu.memory_space<hbm>> -> memref<128x32xf32, #tpu.memory_space<hbm>>
      %dma_start3A_131 = arith.constant 0 : i32
      %dma_start3A_132 = tpu.memref_slice %arg4[%add3A_98, %dma_start3A_131] : memref<65536x32xf32, #tpu.memory_space<hbm>> -> memref<128x32xf32, #tpu.memory_space<hbm>>
      tpu.enqueue_dma source(%arg6 : memref<128x32xf32, #tpu.memory_space<vmem>>) target(%dma_start3A_132 : memref<128x32xf32, #tpu.memory_space<hbm>>) target_semaphore(%run_scoped3A : memref<!tpu.dma_semaphore, #tpu.memory_space<semaphore_mem>>)
      %dma_wait3A_133 = arith.constant 0 : i32
      %dma_wait3A_134 = tpu.memref_slice %arg4[%add3A_98, %dma_wait3A_133] : memref<65536x32xf32, #tpu.memory_space<hbm>> -> memref<128x32xf32, #tpu.memory_space<hbm>>
      %dma_wait3A_135 = arith.constant 0 : i32
      %dma_wait3A_136 = tpu.memref_slice %arg4[%add3A_98, %dma_wait3A_135] : memref<65536x32xf32, #tpu.memory_space<hbm>> -> memref<128x32xf32, #tpu.memory_space<hbm>>
      tpu.wait_dma2 semaphore(%run_scoped3A : memref<!tpu.dma_semaphore, #tpu.memory_space<semaphore_mem>>) src(%arg6 : memref<128x32xf32, #tpu.memory_space<vmem>>) dst(%dma_wait3A_136 : memref<128x32xf32, #tpu.memory_space<hbm>>)
      tpu.yield
    }) : () -> ()
    %add3A_105 = arith.constant 1664 : i32
    %add3A_106 = arith.addi %mul3A_2, %add3A_105 : i32
    "tpu.region"() ({
      %run_scoped3A = tpu.sem_alloc : memref<!tpu.dma_semaphore, #tpu.memory_space<semaphore_mem>>
      %dma_start3A_129 = tpu.memref_slice %arg3[%add3A_106] : memref<65536xi32, #tpu.memory_space<hbm>> -> memref<128xi32, #tpu.memory_space<hbm>>
      %dma_start3A_130 = tpu.memref_slice %arg3[%add3A_106] : memref<65536xi32, #tpu.memory_space<hbm>> -> memref<128xi32, #tpu.memory_space<hbm>>
      tpu.enqueue_dma source(%dma_start3A_130 : memref<128xi32, #tpu.memory_space<hbm>>) target(%arg5 : memref<128xi32, #tpu.memory_space<vmem>>) target_semaphore(%run_scoped3A : memref<!tpu.dma_semaphore, #tpu.memory_space<semaphore_mem>>)
      %dma_wait3A_131 = tpu.memref_slice %arg3[%add3A_106] : memref<65536xi32, #tpu.memory_space<hbm>> -> memref<128xi32, #tpu.memory_space<hbm>>
      %dma_wait3A_132 = tpu.memref_slice %arg3[%add3A_106] : memref<65536xi32, #tpu.memory_space<hbm>> -> memref<128xi32, #tpu.memory_space<hbm>>
      tpu.wait_dma2 semaphore(%run_scoped3A : memref<!tpu.dma_semaphore, #tpu.memory_space<semaphore_mem>>) src(%dma_wait3A_132 : memref<128xi32, #tpu.memory_space<hbm>>) dst(%arg5 : memref<128xi32, #tpu.memory_space<vmem>>)
      tpu.yield
    }) : () -> ()
    %dma_start3A_107 = arith.constant 0 : i32
    %dma_start3A_108 = arith.constant 0 : i32
    %dma_start3A_109 = tpu.memref_slice %arg2[%dma_start3A_107, %dma_start3A_108] : memref<8192x32xf32, #tpu.memory_space<hbm>> -> memref<8192x32xf32, #tpu.memory_space<hbm>>
    tpu.enqueue_indirect_dma source(%dma_start3A_109 : memref<8192x32xf32, #tpu.memory_space<hbm>>) target(%arg6 : memref<128x32xf32, #tpu.memory_space<vmem>>) offsets(%arg5 : memref<128xi32, #tpu.memory_space<vmem>>) semaphore(%arg7 : memref<!tpu.dma_semaphore, #tpu.memory_space<semaphore_mem>>)
    %dma_wait3A_110 = arith.constant 0 : i32
    %dma_wait3A_111 = arith.constant 0 : i32
    %dma_wait3A_112 = tpu.memref_slice %arg2[%dma_wait3A_110, %dma_wait3A_111] : memref<8192x32xf32, #tpu.memory_space<hbm>> -> memref<8192x32xf32, #tpu.memory_space<hbm>>
    tpu.wait_indirect_dma semaphore(%arg7 : memref<!tpu.dma_semaphore, #tpu.memory_space<semaphore_mem>>) src(%dma_wait3A_112 : memref<8192x32xf32, #tpu.memory_space<hbm>>) dst(%arg6 : memref<128x32xf32, #tpu.memory_space<vmem>>)
    "tpu.region"() ({
      %run_scoped3A = tpu.sem_alloc : memref<!tpu.dma_semaphore, #tpu.memory_space<semaphore_mem>>
      %dma_start3A_129 = arith.constant 0 : i32
      %dma_start3A_130 = tpu.memref_slice %arg4[%add3A_106, %dma_start3A_129] : memref<65536x32xf32, #tpu.memory_space<hbm>> -> memref<128x32xf32, #tpu.memory_space<hbm>>
      %dma_start3A_131 = arith.constant 0 : i32
      %dma_start3A_132 = tpu.memref_slice %arg4[%add3A_106, %dma_start3A_131] : memref<65536x32xf32, #tpu.memory_space<hbm>> -> memref<128x32xf32, #tpu.memory_space<hbm>>
      tpu.enqueue_dma source(%arg6 : memref<128x32xf32, #tpu.memory_space<vmem>>) target(%dma_start3A_132 : memref<128x32xf32, #tpu.memory_space<hbm>>) target_semaphore(%run_scoped3A : memref<!tpu.dma_semaphore, #tpu.memory_space<semaphore_mem>>)
      %dma_wait3A_133 = arith.constant 0 : i32
      %dma_wait3A_134 = tpu.memref_slice %arg4[%add3A_106, %dma_wait3A_133] : memref<65536x32xf32, #tpu.memory_space<hbm>> -> memref<128x32xf32, #tpu.memory_space<hbm>>
      %dma_wait3A_135 = arith.constant 0 : i32
      %dma_wait3A_136 = tpu.memref_slice %arg4[%add3A_106, %dma_wait3A_135] : memref<65536x32xf32, #tpu.memory_space<hbm>> -> memref<128x32xf32, #tpu.memory_space<hbm>>
      tpu.wait_dma2 semaphore(%run_scoped3A : memref<!tpu.dma_semaphore, #tpu.memory_space<semaphore_mem>>) src(%arg6 : memref<128x32xf32, #tpu.memory_space<vmem>>) dst(%dma_wait3A_136 : memref<128x32xf32, #tpu.memory_space<hbm>>)
      tpu.yield
    }) : () -> ()
    %add3A_113 = arith.constant 1792 : i32
    %add3A_114 = arith.addi %mul3A_2, %add3A_113 : i32
    "tpu.region"() ({
      %run_scoped3A = tpu.sem_alloc : memref<!tpu.dma_semaphore, #tpu.memory_space<semaphore_mem>>
      %dma_start3A_129 = tpu.memref_slice %arg3[%add3A_114] : memref<65536xi32, #tpu.memory_space<hbm>> -> memref<128xi32, #tpu.memory_space<hbm>>
      %dma_start3A_130 = tpu.memref_slice %arg3[%add3A_114] : memref<65536xi32, #tpu.memory_space<hbm>> -> memref<128xi32, #tpu.memory_space<hbm>>
      tpu.enqueue_dma source(%dma_start3A_130 : memref<128xi32, #tpu.memory_space<hbm>>) target(%arg5 : memref<128xi32, #tpu.memory_space<vmem>>) target_semaphore(%run_scoped3A : memref<!tpu.dma_semaphore, #tpu.memory_space<semaphore_mem>>)
      %dma_wait3A_131 = tpu.memref_slice %arg3[%add3A_114] : memref<65536xi32, #tpu.memory_space<hbm>> -> memref<128xi32, #tpu.memory_space<hbm>>
      %dma_wait3A_132 = tpu.memref_slice %arg3[%add3A_114] : memref<65536xi32, #tpu.memory_space<hbm>> -> memref<128xi32, #tpu.memory_space<hbm>>
      tpu.wait_dma2 semaphore(%run_scoped3A : memref<!tpu.dma_semaphore, #tpu.memory_space<semaphore_mem>>) src(%dma_wait3A_132 : memref<128xi32, #tpu.memory_space<hbm>>) dst(%arg5 : memref<128xi32, #tpu.memory_space<vmem>>)
      tpu.yield
    }) : () -> ()
    %dma_start3A_115 = arith.constant 0 : i32
    %dma_start3A_116 = arith.constant 0 : i32
    %dma_start3A_117 = tpu.memref_slice %arg2[%dma_start3A_115, %dma_start3A_116] : memref<8192x32xf32, #tpu.memory_space<hbm>> -> memref<8192x32xf32, #tpu.memory_space<hbm>>
    tpu.enqueue_indirect_dma source(%dma_start3A_117 : memref<8192x32xf32, #tpu.memory_space<hbm>>) target(%arg6 : memref<128x32xf32, #tpu.memory_space<vmem>>) offsets(%arg5 : memref<128xi32, #tpu.memory_space<vmem>>) semaphore(%arg7 : memref<!tpu.dma_semaphore, #tpu.memory_space<semaphore_mem>>)
    %dma_wait3A_118 = arith.constant 0 : i32
    %dma_wait3A_119 = arith.constant 0 : i32
    %dma_wait3A_120 = tpu.memref_slice %arg2[%dma_wait3A_118, %dma_wait3A_119] : memref<8192x32xf32, #tpu.memory_space<hbm>> -> memref<8192x32xf32, #tpu.memory_space<hbm>>
    tpu.wait_indirect_dma semaphore(%arg7 : memref<!tpu.dma_semaphore, #tpu.memory_space<semaphore_mem>>) src(%dma_wait3A_120 : memref<8192x32xf32, #tpu.memory_space<hbm>>) dst(%arg6 : memref<128x32xf32, #tpu.memory_space<vmem>>)
    "tpu.region"() ({
      %run_scoped3A = tpu.sem_alloc : memref<!tpu.dma_semaphore, #tpu.memory_space<semaphore_mem>>
      %dma_start3A_129 = arith.constant 0 : i32
      %dma_start3A_130 = tpu.memref_slice %arg4[%add3A_114, %dma_start3A_129] : memref<65536x32xf32, #tpu.memory_space<hbm>> -> memref<128x32xf32, #tpu.memory_space<hbm>>
      %dma_start3A_131 = arith.constant 0 : i32
      %dma_start3A_132 = tpu.memref_slice %arg4[%add3A_114, %dma_start3A_131] : memref<65536x32xf32, #tpu.memory_space<hbm>> -> memref<128x32xf32, #tpu.memory_space<hbm>>
      tpu.enqueue_dma source(%arg6 : memref<128x32xf32, #tpu.memory_space<vmem>>) target(%dma_start3A_132 : memref<128x32xf32, #tpu.memory_space<hbm>>) target_semaphore(%run_scoped3A : memref<!tpu.dma_semaphore, #tpu.memory_space<semaphore_mem>>)
      %dma_wait3A_133 = arith.constant 0 : i32
      %dma_wait3A_134 = tpu.memref_slice %arg4[%add3A_114, %dma_wait3A_133] : memref<65536x32xf32, #tpu.memory_space<hbm>> -> memref<128x32xf32, #tpu.memory_space<hbm>>
      %dma_wait3A_135 = arith.constant 0 : i32
      %dma_wait3A_136 = tpu.memref_slice %arg4[%add3A_114, %dma_wait3A_135] : memref<65536x32xf32, #tpu.memory_space<hbm>> -> memref<128x32xf32, #tpu.memory_space<hbm>>
      tpu.wait_dma2 semaphore(%run_scoped3A : memref<!tpu.dma_semaphore, #tpu.memory_space<semaphore_mem>>) src(%arg6 : memref<128x32xf32, #tpu.memory_space<vmem>>) dst(%dma_wait3A_136 : memref<128x32xf32, #tpu.memory_space<hbm>>)
      tpu.yield
    }) : () -> ()
    %add3A_121 = arith.constant 1920 : i32
    %add3A_122 = arith.addi %mul3A_2, %add3A_121 : i32
    "tpu.region"() ({
      %run_scoped3A = tpu.sem_alloc : memref<!tpu.dma_semaphore, #tpu.memory_space<semaphore_mem>>
      %dma_start3A_129 = tpu.memref_slice %arg3[%add3A_122] : memref<65536xi32, #tpu.memory_space<hbm>> -> memref<128xi32, #tpu.memory_space<hbm>>
      %dma_start3A_130 = tpu.memref_slice %arg3[%add3A_122] : memref<65536xi32, #tpu.memory_space<hbm>> -> memref<128xi32, #tpu.memory_space<hbm>>
      tpu.enqueue_dma source(%dma_start3A_130 : memref<128xi32, #tpu.memory_space<hbm>>) target(%arg5 : memref<128xi32, #tpu.memory_space<vmem>>) target_semaphore(%run_scoped3A : memref<!tpu.dma_semaphore, #tpu.memory_space<semaphore_mem>>)
      %dma_wait3A_131 = tpu.memref_slice %arg3[%add3A_122] : memref<65536xi32, #tpu.memory_space<hbm>> -> memref<128xi32, #tpu.memory_space<hbm>>
      %dma_wait3A_132 = tpu.memref_slice %arg3[%add3A_122] : memref<65536xi32, #tpu.memory_space<hbm>> -> memref<128xi32, #tpu.memory_space<hbm>>
      tpu.wait_dma2 semaphore(%run_scoped3A : memref<!tpu.dma_semaphore, #tpu.memory_space<semaphore_mem>>) src(%dma_wait3A_132 : memref<128xi32, #tpu.memory_space<hbm>>) dst(%arg5 : memref<128xi32, #tpu.memory_space<vmem>>)
      tpu.yield
    }) : () -> ()
    %dma_start3A_123 = arith.constant 0 : i32
    %dma_start3A_124 = arith.constant 0 : i32
    %dma_start3A_125 = tpu.memref_slice %arg2[%dma_start3A_123, %dma_start3A_124] : memref<8192x32xf32, #tpu.memory_space<hbm>> -> memref<8192x32xf32, #tpu.memory_space<hbm>>
    tpu.enqueue_indirect_dma source(%dma_start3A_125 : memref<8192x32xf32, #tpu.memory_space<hbm>>) target(%arg6 : memref<128x32xf32, #tpu.memory_space<vmem>>) offsets(%arg5 : memref<128xi32, #tpu.memory_space<vmem>>) semaphore(%arg7 : memref<!tpu.dma_semaphore, #tpu.memory_space<semaphore_mem>>)
    %dma_wait3A_126 = arith.constant 0 : i32
    %dma_wait3A_127 = arith.constant 0 : i32
    %dma_wait3A_128 = tpu.memref_slice %arg2[%dma_wait3A_126, %dma_wait3A_127] : memref<8192x32xf32, #tpu.memory_space<hbm>> -> memref<8192x32xf32, #tpu.memory_space<hbm>>
    tpu.wait_indirect_dma semaphore(%arg7 : memref<!tpu.dma_semaphore, #tpu.memory_space<semaphore_mem>>) src(%dma_wait3A_128 : memref<8192x32xf32, #tpu.memory_space<hbm>>) dst(%arg6 : memref<128x32xf32, #tpu.memory_space<vmem>>)
    "tpu.region"() ({
      %run_scoped3A = tpu.sem_alloc : memref<!tpu.dma_semaphore, #tpu.memory_space<semaphore_mem>>
      %dma_start3A_129 = arith.constant 0 : i32
      %dma_start3A_130 = tpu.memref_slice %arg4[%add3A_122, %dma_start3A_129] : memref<65536x32xf32, #tpu.memory_space<hbm>> -> memref<128x32xf32, #tpu.memory_space<hbm>>
      %dma_start3A_131 = arith.constant 0 : i32
      %dma_start3A_132 = tpu.memref_slice %arg4[%add3A_122, %dma_start3A_131] : memref<65536x32xf32, #tpu.memory_space<hbm>> -> memref<128x32xf32, #tpu.memory_space<hbm>>
      tpu.enqueue_dma source(%arg6 : memref<128x32xf32, #tpu.memory_space<vmem>>) target(%dma_start3A_132 : memref<128x32xf32, #tpu.memory_space<hbm>>) target_semaphore(%run_scoped3A : memref<!tpu.dma_semaphore, #tpu.memory_space<semaphore_mem>>)
      %dma_wait3A_133 = arith.constant 0 : i32
      %dma_wait3A_134 = tpu.memref_slice %arg4[%add3A_122, %dma_wait3A_133] : memref<65536x32xf32, #tpu.memory_space<hbm>> -> memref<128x32xf32, #tpu.memory_space<hbm>>
      %dma_wait3A_135 = arith.constant 0 : i32
      %dma_wait3A_136 = tpu.memref_slice %arg4[%add3A_122, %dma_wait3A_135] : memref<65536x32xf32, #tpu.memory_space<hbm>> -> memref<128x32xf32, #tpu.memory_space<hbm>>
      tpu.wait_dma2 semaphore(%run_scoped3A : memref<!tpu.dma_semaphore, #tpu.memory_space<semaphore_mem>>) src(%arg6 : memref<128x32xf32, #tpu.memory_space<vmem>>) dst(%dma_wait3A_136 : memref<128x32xf32, #tpu.memory_space<hbm>>)
      tpu.yield
    }) : () -> ()
    return
  }
}

module attributes {stable_mosaic.version = 14 : i64} {
  func.func @_vq_body(%arg0: i32, %arg1: memref<512x32xf32, #tpu.memory_space<vmem>>, %arg2: memref<512x1xf32, #tpu.memory_space<vmem>>, %arg3: memref<32x8192xf32, #tpu.memory_space<vmem>>, %arg4: memref<1x8192xf32, #tpu.memory_space<vmem>>, %arg5: memref<1x1x512xi32, #tpu.memory_space<vmem>>, %arg6: memref<1x1xf32, #tpu.memory_space<vmem>>, %arg7: memref<1x1xf32, #tpu.memory_space<vmem>>, %arg8: memref<1x8192xf32, #tpu.memory_space<vmem>>, %arg9: memref<1x1xf32, #tpu.memory_space<vmem>>) attributes {dimension_semantics = [#tpu.dimension_semantics<arbitrary>], iteration_bounds = array<i64: 128>, scalar_prefetch = 0 : i64, scratch_operands = 2 : i64, tpu.core_type = #tpu.core_type<tc>, window_params = [{transform_indices = @transform_0, window_bounds = array<i64: 512, 32>}, {transform_indices = @transform_1, window_bounds = array<i64: 512, 1>}, {pipeline_mode = #tpu.pipeline_mode<synchronous>, transform_indices = @transform_2, window_bounds = array<i64: 32, 8192>}, {pipeline_mode = #tpu.pipeline_mode<synchronous>, transform_indices = @transform_3, window_bounds = array<i64: 1, 8192>}, {transform_indices = @transform_4, window_bounds = array<i64: 1, 1, 512>}, {pipeline_mode = #tpu.pipeline_mode<synchronous>, transform_indices = @transform_5, window_bounds = array<i64: 1, 1>}, {pipeline_mode = #tpu.pipeline_mode<synchronous>, transform_indices = @transform_6, window_bounds = array<i64: 1, 1>}]} {
    %eq3A = arith.constant 0 : i32
    %eq3A_0 = arith.cmpi eq, %arg0, %eq3A : i32
    %convert_element_type3A = arith.extui %eq3A_0 : i1 to i32
    %cond3A = arith.constant 0 : i32
    %cond3A_1 = arith.cmpi ne, %convert_element_type3A, %cond3A : i32
    scf.if %cond3A_1 {
      %broadcast_in_dim3A_80 = arith.constant 0.000000e+00 : f32
      %broadcast_in_dim3A_81 = vector.broadcast %broadcast_in_dim3A_80 : f32 to vector<1x8192xf32>
      %swap3A_82 = arith.constant 0 : index
      %swap3A_83 = arith.constant 0 : index
      %swap3A_84 = vector.load %arg8[%swap3A_82, %swap3A_83] : memref<1x8192xf32, #tpu.memory_space<vmem>>, vector<1x8192xf32>
      tpu.vector_store %arg8[%swap3A_82, %swap3A_83], %broadcast_in_dim3A_81 {strides = array<i32>} : memref<1x8192xf32, #tpu.memory_space<vmem>>, vector<1x8192xf32>,
      %broadcast_in_dim3A_85 = arith.constant 0.000000e+00 : f32
      %broadcast_in_dim3A_86 = vector.broadcast %broadcast_in_dim3A_85 : f32 to vector<1x1xf32>
      %swap3A_87 = arith.constant 0 : index
      %swap3A_88 = arith.constant 0 : index
      %swap3A_89 = vector.load %arg9[%swap3A_87, %swap3A_88] : memref<1x1xf32, #tpu.memory_space<vmem>>, vector<1x1xf32>
      tpu.vector_store %arg9[%swap3A_87, %swap3A_88], %broadcast_in_dim3A_86 {strides = array<i32>} : memref<1x1xf32, #tpu.memory_space<vmem>>, vector<1x1xf32>,
    } else {
    }
    %get3A = arith.constant 0 : index
    %get3A_2 = arith.constant 0 : index
    %get3A_3 = vector.load %arg1[%get3A, %get3A_2] : memref<512x32xf32, #tpu.memory_space<vmem>>, vector<512x32xf32>
    %convert_element_type3A_4 = arith.truncf %get3A_3 : vector<512x32xf32> to vector<512x32xbf16>
    %get3A_5 = arith.constant 0 : index
    %get3A_6 = arith.constant 0 : index
    %get3A_7 = vector.load %arg3[%get3A_5, %get3A_6] : memref<32x8192xf32, #tpu.memory_space<vmem>>, vector<32x8192xf32>
    %dot_general3A = arith.constant dense<0.000000e+00> : vector<512x8192xf32>
    %dot_general3A_8 = tpu.matmul %convert_element_type3A_4, %get3A_7, %dot_general3A {dimension_numbers = #tpu.dot_dimension_numbers<[1], [0], [0], [1], [0, 0, 1, 1], [], []>, transpose_lhs_hint = false} : vector<512x32xbf16>, vector<32x8192xf32>, vector<512x8192xf32> -> vector<512x8192xf32>
    %get3A_9 = arith.constant 0 : index
    %get3A_10 = arith.constant 0 : index
    %get3A_11 = vector.load %arg2[%get3A_9, %get3A_10] : memref<512x1xf32, #tpu.memory_space<vmem>>, vector<512x1xf32>
    %get3A_12 = arith.constant 0 : index
    %get3A_13 = arith.constant 0 : index
    %get3A_14 = vector.load %arg4[%get3A_12, %get3A_13] : memref<1x8192xf32, #tpu.memory_space<vmem>>, vector<1x8192xf32>
    %add3A = vector.broadcast %get3A_11 : vector<512x1xf32> to vector<512x8192xf32>
    %add3A_15 = vector.broadcast %get3A_14 : vector<1x8192xf32> to vector<512x8192xf32>
    %add3A_16 = arith.addf %add3A, %add3A_15 : vector<512x8192xf32>
    %mul3A = arith.constant 2.000000e+00 : f32
    %mul3A_17 = vector.broadcast %mul3A : f32 to vector<512x8192xf32>
    %mul3A_18 = arith.mulf %mul3A_17, %dot_general3A_8 : vector<512x8192xf32>
    %sub3A = arith.subf %add3A_16, %mul3A_18 : vector<512x8192xf32>
    %slice3A = vector.extract_strided_slice %sub3A {offsets = [0, 0], sizes = [512, 4096], strides = [1, 1]} : vector<512x8192xf32> to vector<512x4096xf32>
    %slice3A_19 = vector.extract_strided_slice %sub3A {offsets = [0, 4096], sizes = [512, 4096], strides = [1, 1]} : vector<512x8192xf32> to vector<512x4096xf32>
    %reduce_min3A = arith.constant dense<0x7F800000> : vector<512xf32>
    %reduce_min3A_20 = vector.multi_reduction <minimumf>, %slice3A, %reduce_min3A [1] : vector<512x4096xf32> to vector<512xf32>
    %broadcast_in_dim3A = vector.shape_cast %reduce_min3A_20 : vector<512xf32> to vector<512x1xf32>
    %reduce_min3A_21 = arith.constant dense<0x7F800000> : vector<512xf32>
    %reduce_min3A_22 = vector.multi_reduction <minimumf>, %slice3A_19, %reduce_min3A_21 [1] : vector<512x4096xf32> to vector<512xf32>
    %broadcast_in_dim3A_23 = vector.shape_cast %reduce_min3A_22 : vector<512xf32> to vector<512x1xf32>
    %iota3A = tpu.iota {dimensions = array<i32: 1>} : vector<512x4096xi32>
    %eq3A_24 = vector.broadcast %broadcast_in_dim3A : vector<512x1xf32> to vector<512x4096xf32>
    %eq3A_25 = arith.cmpf oeq, %slice3A, %eq3A_24 : vector<512x4096xf32>
    %jit3A = arith.constant 8192 : i32
    %broadcast_in_dim3A_26 = vector.broadcast %jit3A : i32 to vector<512x4096xi32>
    %select_n3A = arith.select %eq3A_25, %iota3A, %broadcast_in_dim3A_26 : vector<512x4096xi1>, vector<512x4096xi32>
    %reduce_min3A_27 = arith.constant dense<2147483647> : vector<512xi32>
    %reduce_min3A_28 = vector.multi_reduction <minsi>, %select_n3A, %reduce_min3A_27 [1] : vector<512x4096xi32> to vector<512xi32>
    %eq3A_29 = vector.broadcast %broadcast_in_dim3A_23 : vector<512x1xf32> to vector<512x4096xf32>
    %eq3A_30 = arith.cmpf oeq, %slice3A_19, %eq3A_29 : vector<512x4096xf32>
    %add3A_31 = arith.constant 4096 : i32
    %add3A_32 = vector.broadcast %add3A_31 : i32 to vector<512x4096xi32>
    %add3A_33 = arith.addi %iota3A, %add3A_32 : vector<512x4096xi32>
    %jit3A_34 = arith.constant 8192 : i32
    %broadcast_in_dim3A_35 = vector.broadcast %jit3A_34 : i32 to vector<512x4096xi32>
    %select_n3A_36 = arith.select %eq3A_30, %add3A_33, %broadcast_in_dim3A_35 : vector<512x4096xi1>, vector<512x4096xi32>
    %reduce_min3A_37 = arith.constant dense<2147483647> : vector<512xi32>
    %reduce_min3A_38 = vector.multi_reduction <minsi>, %select_n3A_36, %reduce_min3A_37 [1] : vector<512x4096xi32> to vector<512xi32>
    %convert_element_type3A_39 = arith.truncf %broadcast_in_dim3A : vector<512x1xf32> to vector<512x1xbf16>
    %convert_element_type3A_40 = arith.extf %convert_element_type3A_39 : vector<512x1xbf16> to vector<512x1xf32>
    %lt3A = arith.cmpf olt, %broadcast_in_dim3A_23, %convert_element_type3A_40 : vector<512x1xf32>
    %squeeze3A = vector.shape_cast %lt3A : vector<512x1xi1> to vector<512xi1>
    %select_n3A_41 = arith.select %squeeze3A, %reduce_min3A_38, %reduce_min3A_28 : vector<512xi1>, vector<512xi32>
    %swap3A = arith.constant 0 : index
    %swap3A_42 = arith.constant 0 : index
    %swap3A_43 = arith.constant 0 : index
    %swap3A_44 = vector.load %arg5[%swap3A, %swap3A_42, %swap3A_43] : memref<1x1x512xi32, #tpu.memory_space<vmem>>, vector<1x1x512xi32>
    %swap3A_45 = vector.shape_cast %swap3A_44 : vector<1x1x512xi32> to vector<512xi32>
    %swap3A_46 = vector.shape_cast %select_n3A_41 : vector<512xi32> to vector<1x1x512xi32>
    tpu.vector_store %arg5[%swap3A, %swap3A_42, %swap3A_43], %swap3A_46 {strides = array<i32>} : memref<1x1x512xi32, #tpu.memory_space<vmem>>, vector<1x1x512xi32>,
    %select_n3A_47 = arith.select %lt3A, %broadcast_in_dim3A_23, %broadcast_in_dim3A : vector<512x1xi1>, vector<512x1xf32>
    %iota3A_48 = tpu.iota {dimensions = array<i32: 1>} : vector<512x8192xi32>
    %broadcast_in_dim3A_49 = vector.shape_cast %select_n3A_41 : vector<512xi32> to vector<512x1xi32>
    %eq3A_50 = vector.broadcast %broadcast_in_dim3A_49 : vector<512x1xi32> to vector<512x8192xi32>
    %eq3A_51 = arith.cmpi eq, %iota3A_48, %eq3A_50 : vector<512x8192xi32>
    %convert_element_type3A_52 = arith.extui %eq3A_51 : vector<512x8192xi1> to vector<512x8192xi32>
    %convert_element_type3A_53 = arith.sitofp %convert_element_type3A_52 : vector<512x8192xi32> to vector<512x8192xf32>
    %get3A_54 = arith.constant 0 : index
    %get3A_55 = arith.constant 0 : index
    %get3A_56 = vector.load %arg8[%get3A_54, %get3A_55] : memref<1x8192xf32, #tpu.memory_space<vmem>>, vector<1x8192xf32>
    %reduce_sum3A = arith.constant dense<0.000000e+00> : vector<8192xf32>
    %reduce_sum3A_57 = vector.multi_reduction <add>, %convert_element_type3A_53, %reduce_sum3A [0] : vector<512x8192xf32> to vector<8192xf32>
    %broadcast_in_dim3A_58 = vector.shape_cast %reduce_sum3A_57 : vector<8192xf32> to vector<1x8192xf32>
    %add3A_59 = arith.addf %get3A_56, %broadcast_in_dim3A_58 : vector<1x8192xf32>
    %swap3A_60 = arith.constant 0 : index
    %swap3A_61 = arith.constant 0 : index
    %swap3A_62 = vector.load %arg8[%swap3A_60, %swap3A_61] : memref<1x8192xf32, #tpu.memory_space<vmem>>, vector<1x8192xf32>
    tpu.vector_store %arg8[%swap3A_60, %swap3A_61], %add3A_59 {strides = array<i32>} : memref<1x8192xf32, #tpu.memory_space<vmem>>, vector<1x8192xf32>,
    %get3A_63 = arith.constant 0 : index
    %get3A_64 = arith.constant 0 : index
    %get3A_65 = vector.load %arg9[%get3A_63, %get3A_64] : memref<1x1xf32, #tpu.memory_space<vmem>>, vector<1x1xf32>
    %reduce_sum3A_66 = vector.shape_cast %select_n3A_47 : vector<512x1xf32> to vector<1x512x1xf32>
    %reduce_sum3A_67 = arith.constant dense<0.000000e+00> : vector<1xf32>
    %reduce_sum3A_68 = vector.multi_reduction <add>, %reduce_sum3A_66, %reduce_sum3A_67 [1, 2] : vector<1x512x1xf32> to vector<1xf32>
    %reduce_sum3A_69 = vector.shape_cast %reduce_sum3A_68 : vector<1xf32> to vector<1x1x1xf32>
    %reduce_sum3A_70 = vector.extract %reduce_sum3A_69[0, 0, 0] : f32 from vector<1x1x1xf32>
    %reshape3A = vector.broadcast %reduce_sum3A_70 : f32 to vector<1x1xf32>
    %add3A_71 = arith.addf %get3A_65, %reshape3A : vector<1x1xf32>
    %swap3A_72 = arith.constant 0 : index
    %swap3A_73 = arith.constant 0 : index
    %swap3A_74 = vector.load %arg9[%swap3A_72, %swap3A_73] : memref<1x1xf32, #tpu.memory_space<vmem>>, vector<1x1xf32>
    tpu.vector_store %arg9[%swap3A_72, %swap3A_73], %add3A_71 {strides = array<i32>} : memref<1x1xf32, #tpu.memory_space<vmem>>, vector<1x1xf32>,
    %eq3A_75 = arith.constant 127 : i32
    %eq3A_76 = arith.cmpi eq, %arg0, %eq3A_75 : i32
    %convert_element_type3A_77 = arith.extui %eq3A_76 : i1 to i32
    %cond3A_78 = arith.constant 0 : i32
    %cond3A_79 = arith.cmpi ne, %convert_element_type3A_77, %cond3A_78 : i32
    scf.if %cond3A_79 {
      %get3A_80 = arith.constant 0 : index
      %get3A_81 = arith.constant 0 : index
      %get3A_82 = vector.load %arg9[%get3A_80, %get3A_81] : memref<1x1xf32, #tpu.memory_space<vmem>>, vector<1x1xf32>
      %mul3A_83 = arith.constant 5.96046448E-7 : f32
      %mul3A_84 = vector.broadcast %mul3A_83 : f32 to vector<1x1xf32>
      %mul3A_85 = arith.mulf %get3A_82, %mul3A_84 : vector<1x1xf32>
      %swap3A_86 = arith.constant 0 : index
      %swap3A_87 = arith.constant 0 : index
      %swap3A_88 = vector.load %arg6[%swap3A_86, %swap3A_87] : memref<1x1xf32, #tpu.memory_space<vmem>>, vector<1x1xf32>
      tpu.vector_store %arg6[%swap3A_86, %swap3A_87], %mul3A_85 {strides = array<i32>} : memref<1x1xf32, #tpu.memory_space<vmem>>, vector<1x1xf32>,
      %get3A_89 = arith.constant 0 : index
      %get3A_90 = arith.constant 0 : index
      %get3A_91 = vector.load %arg8[%get3A_89, %get3A_90] : memref<1x8192xf32, #tpu.memory_space<vmem>>, vector<1x8192xf32>
      %mul3A_92 = arith.constant 1.52587891E-5 : f32
      %mul3A_93 = vector.broadcast %mul3A_92 : f32 to vector<1x8192xf32>
      %mul3A_94 = arith.mulf %get3A_91, %mul3A_93 : vector<1x8192xf32>
      %add3A_95 = arith.constant 1.000000e-10 : f32
      %add3A_96 = vector.broadcast %add3A_95 : f32 to vector<1x8192xf32>
      %add3A_97 = arith.addf %mul3A_94, %add3A_96 : vector<1x8192xf32>
      %log3A = math.log %add3A_97 : vector<1x8192xf32>
      %mul3A_98 = arith.mulf %mul3A_94, %log3A : vector<1x8192xf32>
      %reduce_sum3A_99 = vector.shape_cast %mul3A_98 : vector<1x8192xf32> to vector<1x1x8192xf32>
      %reduce_sum3A_100 = arith.constant dense<0.000000e+00> : vector<1xf32>
      %reduce_sum3A_101 = vector.multi_reduction <add>, %reduce_sum3A_99, %reduce_sum3A_100 [1, 2] : vector<1x1x8192xf32> to vector<1xf32>
      %reduce_sum3A_102 = vector.shape_cast %reduce_sum3A_101 : vector<1xf32> to vector<1x1x1xf32>
      %reduce_sum3A_103 = vector.extract %reduce_sum3A_102[0, 0, 0] : f32 from vector<1x1x1xf32>
      %neg3A = arith.constant 0.000000e+00 : f32
      %neg3A_104 = arith.subf %neg3A, %reduce_sum3A_103 : f32
      %exp3A = math.exp %neg3A_104 : f32
      %reshape3A_105 = vector.broadcast %exp3A : f32 to vector<1x1xf32>
      %swap3A_106 = arith.constant 0 : index
      %swap3A_107 = arith.constant 0 : index
      %swap3A_108 = vector.load %arg7[%swap3A_106, %swap3A_107] : memref<1x1xf32, #tpu.memory_space<vmem>>, vector<1x1xf32>
      tpu.vector_store %arg7[%swap3A_106, %swap3A_107], %reshape3A_105 {strides = array<i32>} : memref<1x1xf32, #tpu.memory_space<vmem>>, vector<1x1xf32>,
    } else {
    }
    return
  }
  func.func @transform_0(%arg0: i32) -> (i32, i32) {
    %c0_i32 = arith.constant 0 : i32
    %c0_i32_0 = arith.constant 0 : i32
    return %arg0, %c0_i32 : i32, i32
  }
  func.func @transform_1(%arg0: i32) -> (i32, i32) {
    %c0_i32 = arith.constant 0 : i32
    %c0_i32_0 = arith.constant 0 : i32
    return %arg0, %c0_i32 : i32, i32
  }
  func.func @transform_2(%arg0: i32) -> (i32, i32) {
    %c0_i32 = arith.constant 0 : i32
    %c0_i32_0 = arith.constant 0 : i32
    %c0_i32_1 = arith.constant 0 : i32
    return %c0_i32, %c0_i32_0 : i32, i32
  }
  func.func @transform_3(%arg0: i32) -> (i32, i32) {
    %c0_i32 = arith.constant 0 : i32
    %c0_i32_0 = arith.constant 0 : i32
    %c0_i32_1 = arith.constant 0 : i32
    return %c0_i32, %c0_i32_0 : i32, i32
  }
  func.func @transform_4(%arg0: i32) -> (i32, i32, i32) {
    %c0_i32 = arith.constant 0 : i32
    %c0_i32_0 = arith.constant 0 : i32
    %c0_i32_1 = arith.constant 0 : i32
    return %arg0, %c0_i32, %c0_i32_0 : i32, i32, i32
  }
  func.func @transform_5(%arg0: i32) -> (i32, i32) {
    %c0_i32 = arith.constant 0 : i32
    %c0_i32_0 = arith.constant 0 : i32
    %c0_i32_1 = arith.constant 0 : i32
    return %c0_i32, %c0_i32_0 : i32, i32
  }
  func.func @transform_6(%arg0: i32) -> (i32, i32) {
    %c0_i32 = arith.constant 0 : i32
    %c0_i32_0 = arith.constant 0 : i32
    %c0_i32_1 = arith.constant 0 : i32
    return %c0_i32, %c0_i32_0 : i32, i32
  }
}

</mosaic_0001>

<sc_bundles>
// kernel: kernel.4.cloned.1.call-start
scs
__scs_entry_jumppad:
0x0: {  	(pc) =	sbr.rel $0x88, $3  }
0x1: {  	(tag) =	ssettag $0x0;
	lr =	simm.s32 $0x1  }
0x2: {  	[smem:$0x3F9F] =	sst lr;
	_ =	strace $0xD0000000  }
0x3: {  	_ = 	snop  }
0x4: {  	_ = 	snop  }
0x5: {  	_ = 	snop  }
0x6: {  	_ = 	snop  }
0x7: {  	_ = 	snop  }
__scs_overlays_trampoline_lowered:
0x8: {  	[smem:$0x3FAE] =	sst s0  }
0x9: {  	[smem:$0x3FAF] =	sst s1  }
0xa: {  	[smem:$0x3FB0] =	sst s2  }
0xb: {  	[smem:$0x3FB1] =	sst s3  }
0xc: {  	[smem:$0x3FB2] =	sst s4  }
0xd: {  	[smem:$0x3FB3] =	sst s5  }
0xe: {  	[smem:$0x3FB4] =	sst s6  }
0xf: {  	[smem:$0x3FB5] =	sst s7  }
0x10: {  	[smem:$0x3FB6] =	sst s8  }
0x11: {  	[smem:$0x3FB7] =	sst s9;
	s0 =	simm.s32 @!p0 $0x0  }
0x12: {  	s1 =	sld [smem:$0x3F9D];
	s0 =	simm.s32 @p0 $0x1  }
0x13: {  	[smem:$0x3FB8] =	sst s0;
	s0 =	simm.s32 @!p1 $0x0  }
0x14: {  	s2 =	sld [smem:$0x3F9C];
	s0 =	simm.s32 @p1 $0x1  }
0x15: {  	[smem:$0x3FB9] =	sst s0;
	s0 =	simm.s32 @!p2 $0x0  }
0x16: {  	s3 =	sld [smem:$0x3FDB];
	s0 =	simm.s32 @p2 $0x1  }
0x17: {  	s4 =	simm.s32 $0x1BF5;
	[smem:$0x3FBB] =	sst s0  }
0x18: {  	s0 =	sld [smem:$0x3F9E];
	_ =	swait.ge [sflag:s4], $0x0  }
0x19: {  	s7 =	sld [smem:$0x3F9F]  }
0x1a: {  	s8 =	sadd.s32 $0xFFFFE003, lr  }
0x1b: {  	s9 =	sadd.s32 $0xFFFFFEF7, lr;
	s5 =	simm.s32 $0xFFFFFFFF;
	p2 =	slt.u32 s8, $0xFFFFF086  }
0x1c: {  	p1 =	slt.u32 s9, $0xF7A;
	s5 =	simm.s32 @!p2 $0x0  }
0x1d: {  	s5 =	simm.s32 @p1 $0x1;
	p0 =	seq.s32 s7, s2  }
0x1e: {  	s7 =	smul.u32 @!p0 $0xF7A, s2;
	p2 =	seq.s32 @!p0 s5, $0x0  }
0x1f: {  	s9 =	smul.u32 $0xF7A, s1;
	s8 =	simm.s32 @!p0 $0x1BF5;
	p2 =	por !p2, p0  }
0x20: {  	[sflag:s8] =	ssyncset.s32 @!p0 $0xFFFFF086;
	s6 =	sadd.s32 @!p0 s3, s7;
	s7 =	simm.s32 @!p0 $0x108  }
0x21: {  	s3 =	sadd.s32 s3, s9;
	s6 =	sadd.s32 @!p0 $0x88, s6;
	s7 =	simm.s32 @p2 $0x1082  }
0x22: {  	[simem:s7], [sflag:s8] =	dma.local @!p0 [hbm:s6], $0xF7A  }
0x23: {  	s9 =	sor.u32 $0xD0000000, s2;
	s6 =	simm.s32 $0x108;
	_ =	swait.ge @!p0 [sflag:s8], $0x0  }
0x24: {  	s3 =	sadd.s32 $0x88, s3;
	s6 =	simm.s32 @!p1 $0x1082;
	[sflag:s4] =	ssyncset.s32 $0xFFFFF086  }
0x25: {  	[simem:s6], [sflag:s4] =	dma.local [hbm:s3], $0xF7A  }
0x26: {  	[smem:$0x3F9F] =	sst s1;
	(tag) =	ssettag s2;
	_ =	strace s9  }
0x27: {  	s1 =	sld [smem:$0x3FAF]  }
0x28: {  	s2 =	sld [smem:$0x3FB0]  }
0x29: {  	s4 =	sld [smem:$0x3FB2]  }
0x2a: {  	p0 =	seq.s32 s5, $0x0;
	s5 =	sld [smem:$0x3FB3]  }
0x2b: {  	s6 =	sld [smem:$0x3FB4]  }
0x2c: {  	s7 =	sld [smem:$0x3FB5]  }
0x2d: {  	s3 =	simm.s32 $0x108;
	s8 =	sld [smem:$0x3FB6]  }
0x2e: {  	s3 =	simm.s32 @!p0 $0x1082;
	s9 =	sld [smem:$0x3FB7]  }
0x2f: {  	lr =	sadd.s32 s0, s3;
	s0 =	sld [smem:$0x3FAE]  }
0x30: {  	s3 =	sld [smem:$0x3FB1]  }
0x31: {  	[smem:$0x3FBA] =	sst s10  }
0x32: {  	s10 =	sld [smem:$0x3FB8];
	_ =	sdelay $0x3  }
0x33: {  	p0 =	seq.s32 s10, $0x1;
	s10 =	sld [smem:$0x3FBA];
	_ =	sdelay $0x3  }
0x34: {  	[smem:$0x3FBA] =	sst s10  }
0x35: {  	s10 =	sld [smem:$0x3FB9];
	_ =	sdelay $0x3  }
0x36: {  	p1 =	seq.s32 s10, $0x1;
	s10 =	sld [smem:$0x3FBA];
	_ =	sdelay $0x3  }
0x37: {  	[smem:$0x3FBA] =	sst s10  }
0x38: {  	s10 =	sld [smem:$0x3FBB]  }
0x39: {  	_ = 	snop;
	(pc) =	sbr.ind lr, $3  }
0x3a: {  	_ = 	snop  }
0x3b: {  	_ = 	snop  }
0x3c: {  	p2 =	seq.s32 s10, $0x1;
	s10 =	sld [smem:$0x3FBA]  }
0x3d: {  	_ =	shalt  }
0x3e: {  	_ =	shalt  }
0x3f: {  	_ =	shalt  }
0x40: {  	_ =	shalt  }
0x41: {  	_ =	shalt  }
0x42: {  	_ =	shalt  }
0x43: {  	_ =	shalt  }
0x44: {  	_ =	shalt  }
0x45: {  	_ =	shalt  }
0x46: {  	_ =	shalt  }
0x47: {  	_ =	shalt  }
0x48: {  	_ =	shalt  }
0x49: {  	_ =	shalt  }
0x4a: {  	_ =	shalt  }
0x4b: {  	_ =	shalt  }
0x4c: {  	_ =	shalt  }
0x4d: {  	_ =	shalt  }
0x4e: {  	_ =	shalt  }
0x4f: {  	_ =	shalt  }
0x50: {  	_ =	shalt  }
0x51: {  	_ =	shalt  }
0x52: {  	_ =	shalt  }
0x53: {  	_ =	shalt  }
0x54: {  	_ =	shalt  }
0x55: {  	_ =	shalt  }
0x56: {  	_ =	shalt  }
0x57: {  	_ =	shalt  }
0x58: {  	_ =	shalt  }
0x59: {  	_ =	shalt  }
0x5a: {  	_ =	shalt  }
0x5b: {  	_ =	shalt  }
0x5c: {  	_ =	shalt  }
0x5d: {  	_ =	shalt  }
0x5e: {  	_ =	shalt  }
0x5f: {  	_ =	shalt  }
0x60: {  	_ =	shalt  }
0x61: {  	_ =	shalt  }
0x62: {  	_ =	shalt  }
0x63: {  	_ =	shalt  }
0x64: {  	_ =	shalt  }
0x65: {  	_ =	shalt  }
0x66: {  	_ =	shalt  }
0x67: {  	_ =	shalt  }
0x68: {  	_ =	shalt  }
0x69: {  	_ =	shalt  }
0x6a: {  	_ =	shalt  }
0x6b: {  	_ =	shalt  }
0x6c: {  	_ =	shalt  }
0x6d: {  	_ =	shalt  }
0x6e: {  	_ =	shalt  }
0x6f: {  	_ =	shalt  }
0x70: {  	_ =	shalt  }
0x71: {  	_ =	shalt  }
0x72: {  	_ =	shalt  }
0x73: {  	_ =	shalt  }
0x74: {  	_ =	shalt  }
0x75: {  	_ =	shalt  }
0x76: {  	_ =	shalt  }
0x77: {  	_ =	shalt  }
0x78: {  	_ =	shalt  }
0x79: {  	_ =	shalt  }
0x7a: {  	_ =	shalt  }
0x7b: {  	_ =	shalt  }
0x7c: {  	_ =	shalt  }
0x7d: {  	_ =	shalt  }
0x7e: {  	_ =	shalt  }
0x7f: {  	_ =	shalt  }
0x80: {  	_ =	shalt  }
0x81: {  	_ =	shalt  }
0x82: {  	_ =	shalt  }
0x83: {  	_ =	shalt  }
0x84: {  	_ =	shalt  }
0x85: {  	_ =	shalt  }
0x86: {  	_ =	shalt  }
0x87: {  	_ =	shalt  }
.Lfunc_end0:
.L_simem_size_0:
called_computation_lowered:
.L_overlay_start_0:
0x88: {  	s2 =	sld [smem:$0x3FD9]  }
0x89: {  	s3 =	sld [smem:$0x3FFE];
	_ =	sdelay $0x1  }
0x8a: {  	s1 =	srdreg.scid  }
0x8b: {  	s0 =	sand.u32 $0x1, s1  }
0x8c: {  	s14 =	sshll.u32 s0, $0xA;
	s2 =	sadd.s32 s3, s2  }
0x8d: {  	s2 =	sadd.s32 s2, s14  }
0x8e: {  	[smem:$0x3FC6] =	sst s2  }
0x8f: {  	_ = 	snop  }
0x90: {  	s2 =	sld [smem:$0x3FD0];
	_ =	sdelay $0x2  }
0x91: {  	s15 =	simm.s32 $0xA;
	s4 =	simm.s32 $0x10  }
0x92: {  	[smem:s4], [sflag:s15] =	dma.local [hbm:s2], $0x1  }
0x93: {  	_ =	swait.eq [sflag:s15], $0x1  }
0x94: {  	[sflag:s15] =	ssyncset.done $0x0  }
0x95: {  	s16 =	sld [smem:$0x10];
	[sflag:s15] =	ssyncadd.s32 $0xFFFFFFFF  }
0x96: {  	s17 =	sld [smem:$0x13];
	(tm) =	ssettm $0x1  }
0x97: {  	s18 =	sld [smem:$0x3FFB];
	_ =	sdelay $0x3  }
0x98: {  	_ =	strace s18  }
0x99: {  	s4 =	sld [smem:$0x3FFC];
	_ =	sdelay $0x3  }
0x9a: {  	_ =	strace s4  }
0x9b: {  	s4 =	sld [smem:$0x3FFD];
	_ =	sdelay $0x3  }
0x9c: {  	_ =	strace s4  }
0x9d: {  	_ =	strace $0x8FFFFFFF  }
0x9e: {  	s19 =	sld [smem:$0x3FDB];
	_ =	sdelay $0x1  }
0x9f: {  	s5 =	simm.s32 $_scs_section_size  }
0xa0: {  	s6 =	simm.s32 $_size__tile_overlayer_lowered;
	s7 =	simm.s32 $_tile_overlayer_lowered  }
0xa1: {  	s22 =	simm.s32 $0x1BFF;
	s21 =	sshll.u32 s7, $0x1;
	s4 =	sadd.s32 s5, s19  }
0xa2: {  	s8 =	simm.s32 $0x0;
	s20 =	sshll.u32 s6, $0x1;
	s6 =	sadd.s32 s21, s4  }
0xa3: {  	[timem:s8], [sflag:s22] =	dma.local [hbm:s6], s20  }
0xa4: {  	_ =	swait.ge [sflag:s22], s20  }
0xa5: {  	s5 =	ssub.s32 $0x0, s20;
	[sflag:s22] =	ssyncset.done $0x0  }
0xa6: {  	[sflag:s22] =	ssyncadd.s32 s5;
	_ =	sdelay $0x1  }
0xa7: {  	s23 =	simm.s32 $0x1B8B  }
0xa8: {  	_ =	swait.ge [sflag:s23], $0x1  }
0xa9: {  	[sflag:s23] =	ssyncset.done $0x0  }
0xaa: {  	s25 =	simm.s32 $0x1B8E;
	s24 =	sld [smem:$0x3FFE];
	[sflag:s23] =	ssyncadd.s32 $0xFFFFFFFF  }
0xab: {  	s26 =	simm.s32 $execute0_lowered;
	[smem:$0x3FD2] =	sst s25  }
0xac: {  	s6 =	sshll.u32 s26, $0x1;
	_ =	strace $0x80000046;
	[dreg:$0x1] =	wrdreg $0xFFFFFFFF  }
0xad: {  	s28 =	simm.s32 $_size_execute0_lowered;
	s4 =	sadd.s32 s4, s6;
	[dreg:$0x0] =	wrdreg $0x0  }
0xae: {  	s6 =	sshll.u32 s28, $0x1;
	[dreg:$0x2] =	wrdreg s4  }
0xaf: {  	[dreg:$0x3] =	wrdreg s6  }
0xb0: {  	[dreg:$0x4] =	wrdreg $0xC0  }
0xb1: {  	_ =	task [dreg:s8], $0x5FFFF  }
0xb2: {  	[dreg:$0x1] =	wrdreg $0xFFFFFFFF  }
0xb3: {  	[dreg:$0x0] =	wrdreg $0x60  }
0xb4: {  	[dreg:$0x2] =	wrdreg s24  }
0xb5: {  	[dreg:$0x3] =	wrdreg s17  }
0xb6: {  	[dreg:$0x4] =	wrdreg s16  }
0xb7: {  	[dreg:$0x5] =	wrdreg $0x9  }
0xb8: {  	_ =	task.clear_ibuf [dreg:s8], $0x6FFFF;
	_ =	strace $0x90000046  }
0xb9: {  	s29 =	simm.s32 $0x9;
	_ =	strace $0x80000048  }
0xba: {  	_ =	swait.ge [sflag:s29], $0x1  }
0xbb: {  	[sflag:s29] =	ssyncadd.s32 $0xFFFFFFFF  }
0xbc: {  	_ =	strace $0x90000048  }
0xbd: {  	_ =	sfence  }
0xbe: {  	s30 =	sld [smem:$0x0];
	_ =	sdelay $0x2  }
0xbf: {  	s31 =	sshll.u32 s1, $0xD;
	s1 =	sshrl.u32 s1, $0x2  }
0xc0: {  	s3 =	sand.u32 $0x4000, s31;
	s1 =	sadd.s32 s1, s30  }
0xc1: {  	s0 =	sor.u32 s3, s0;
	s1 =	sshll.u32 s1, $0x11  }
0xc2: {  	s0 =	sor.u32 s1, s0  }
0xc3: {  	s0 =	sadd.s32 $0x8F2B, s0  }
0xc4: {  	[sflag:s0] =	ssyncadd.remote.s32 $0x1  }
0xc5: {  	_ =	sfence.sel $0xFFFF  }
0xc6: {  	[dreg:$0x0] =	wrdreg $0xFFFFFFFF;
	(pc) =	sbr.abs _section_cstart, $3  }
0xc7: {  	[dreg:$0x1] =	wrdreg $0xFFFFFFFF  }
0xc8: {  	_ =	task.clear_ibuf [dreg:s8], $0x2FFFF;
	_ =	strace $0x9FFFFFFF  }
0xc9: {  	(tm) =	ssettm $0x7FFFFFFF  }
tec
execute0_lowered:
.L_overlay_start_1:
0x0: {  	(tag) =	ssettag $0x1  }
0x1: {  	s4 =	rddreg [dreg:$0x0];
	s0 =	srdreg.scid  }
0x2: {  	s30 =	rddreg [dreg:$0x1];
	s1 =	stileid.u32  }
0x3: {  	s31 =	rddreg [dreg:$0x2];
	s2 =	sand.u32 $0x1, s0;
	s7 =	sshll.u32 s1, $0xC  }
0x4: {  	s3 =	sshll.u32 s2, $0xB;
	s1 =	smov.u32 s2;
	s2 =	simm.s32 $0x0  }
0x5: {  	s0 =	sor.u32 s3, s7;
	[smem:$0x7FF] =	sst s2  }
0x6: {  	s3 =	sshrl.u32 s0, $0x3;
	_ =	strace $0x80000047;
	s5 =	sshll.u32 s0, $0x2  }
0x7: {  	s9 =	sor.u32 $0x80, s0;
	s6 =	sor.u32 $0x100, s0;
	s3 =	sadd.s32 s30, s3  }
0x8: {  	s8 =	sadd.s32 s31, s5;
	s10 =	sshrl.u32 s9, $0x3;
	[dreg:$0x4] =	wrdreg s3  }
0x9: {  	s5 =	sshll.u32 s9, $0x2;
	[dreg:$0x5] =	wrdreg s8;
	s3 =	sadd.s32 s30, s10  }
0xa: {  	s12 =	sshrl.u32 s6, $0x3;
	s11 =	sadd.s32 s31, s5;
	[dreg:$0x6] =	wrdreg s3  }
0xb: {  	s14 =	sshll.u32 s6, $0x2;
	s13 =	sadd.s32 s30, s12;
	[dreg:$0x7] =	wrdreg s11  }
0xc: {  	s16 =	sor.u32 $0x180, s0;
	s15 =	sadd.s32 s31, s14;
	[dreg:$0x8] =	wrdreg s13  }
0xd: {  	s17 =	sshrl.u32 s16, $0x3;
	[dreg:$0x9] =	wrdreg s15  }
0xe: {  	s5 =	sshll.u32 s16, $0x2;
	s3 =	sadd.s32 s30, s17;
	s18 =	rddreg [dreg:$0x4]  }
0xf: {  	s19 =	sadd.s32 s31, s5;
	[dreg:$0xa] =	wrdreg s3  }
0x10: {  	[dreg:$0xb] =	wrdreg s19;
	s3 =	simm.s32 $0x2  }
0x11: {  	[tilespmem:s2], [sflag:$0x2] =	stream.linear.gather [hbm4b:s18+s2], $0x80, $0x38;
	[tilespmem:$0x1080] =	vst v63  }
0x12: {  	_ =	swait.ge [sflag:s3], $0x80  }
0x13: {  	s4 =	sadd.s32 $0x200000, s4;
	[sflag:s3] =	ssyncset.done $0x0  }
0x14: {  	s6 =	simm.s32 $0x1;
	s5 =	simm.s32 $0x80;
	[sflag:s3] =	ssyncadd.s32 $0xFFFFFF80  }
0x15: {  	[tilespmem:s5], [sflag:$0x1] =	stream.indirect.gather [hbm4b:s4+s5], $0x20, s2, s5, $0xb8;
	[tilespmem:$0x1080] =	vst v63  }
0x16: {  	_ =	swait.ge [sflag:s6], $0x1000  }
0x17: {  	[sflag:s6] =	ssyncset.done $0x0  }
0x18: {  	s7 =	rddreg [dreg:$0x5];
	[sflag:s6] =	ssyncadd.s32 $0xFFFFF000  }
0x19: {  	[hbm4b:s7+s2] =	stream.linear.scatter [tilespmem:s5], [sflag:$0x2], $0x1000, $0x38;
	[tilespmem:$0x1080] =	vst v63  }
0x1a: {  	_ =	swait.ge [sflag:s3], $0x1000  }
0x1b: {  	[sflag:s3] =	ssyncset.done $0x0  }
0x1c: {  	s20 =	rddreg [dreg:$0x6];
	[sflag:s3] =	ssyncadd.s32 $0xFFFFF000  }
0x1d: {  	[tilespmem:s2], [sflag:$0x2] =	stream.linear.gather [hbm4b:s20+s2], $0x80, $0x38;
	[tilespmem:$0x1080] =	vst v63  }
0x1e: {  	_ =	swait.ge [sflag:s3], $0x80  }
0x1f: {  	[sflag:s3] =	ssyncset.done $0x0  }
0x20: {  	[sflag:s3] =	ssyncadd.s32 $0xFFFFFF80  }
0x21: {  	[tilespmem:s5], [sflag:$0x1] =	stream.indirect.gather [hbm4b:s4+s5], $0x20, s2, s5, $0xb8;
	[tilespmem:$0x1080] =	vst v63  }
0x22: {  	_ =	swait.ge [sflag:s6], $0x1000  }
0x23: {  	[sflag:s6] =	ssyncset.done $0x0  }
0x24: {  	s21 =	rddreg [dreg:$0x7];
	[sflag:s6] =	ssyncadd.s32 $0xFFFFF000  }
0x25: {  	[hbm4b:s21+s2] =	stream.linear.scatter [tilespmem:s5], [sflag:$0x2], $0x1000, $0x38;
	[tilespmem:$0x1080] =	vst v63  }
0x26: {  	_ =	swait.ge [sflag:s3], $0x1000  }
0x27: {  	[sflag:s3] =	ssyncset.done $0x0  }
0x28: {  	s22 =	rddreg [dreg:$0x8];
	[sflag:s3] =	ssyncadd.s32 $0xFFFFF000  }
0x29: {  	[tilespmem:s2], [sflag:$0x2] =	stream.linear.gather [hbm4b:s22+s2], $0x80, $0x38;
	[tilespmem:$0x1080] =	vst v63  }
0x2a: {  	_ =	swait.ge [sflag:s3], $0x80  }
0x2b: {  	[sflag:s3] =	ssyncset.done $0x0  }
0x2c: {  	[sflag:s3] =	ssyncadd.s32 $0xFFFFFF80  }
0x2d: {  	[tilespmem:s5], [sflag:$0x1] =	stream.indirect.gather [hbm4b:s4+s5], $0x20, s2, s5, $0xb8;
	[tilespmem:$0x1080] =	vst v63  }
0x2e: {  	_ =	swait.ge [sflag:s6], $0x1000  }
0x2f: {  	[sflag:s6] =	ssyncset.done $0x0  }
0x30: {  	s23 =	rddreg [dreg:$0x9];
	[sflag:s6] =	ssyncadd.s32 $0xFFFFF000  }
0x31: {  	[hbm4b:s23+s2] =	stream.linear.scatter [tilespmem:s5], [sflag:$0x2], $0x1000, $0x38;
	[tilespmem:$0x1080] =	vst v63  }
0x32: {  	_ =	swait.ge [sflag:s3], $0x1000  }
0x33: {  	[sflag:s3] =	ssyncset.done $0x0  }
0x34: {  	s24 =	rddreg [dreg:$0xa];
	[sflag:s3] =	ssyncadd.s32 $0xFFFFF000  }
0x35: {  	[tilespmem:s2], [sflag:$0x2] =	stream.linear.gather [hbm4b:s24+s2], $0x80, $0x38;
	[tilespmem:$0x1080] =	vst v63  }
0x36: {  	_ =	swait.ge [sflag:s3], $0x80  }
0x37: {  	[sflag:s3] =	ssyncset.done $0x0  }
0x38: {  	[sflag:s3] =	ssyncadd.s32 $0xFFFFFF80  }
0x39: {  	[tilespmem:s5], [sflag:$0x1] =	stream.indirect.gather [hbm4b:s4+s5], $0x20, s2, s5, $0xb8;
	[tilespmem:$0x1080] =	vst v63  }
0x3a: {  	_ =	swait.ge [sflag:s6], $0x1000  }
0x3b: {  	[sflag:s6] =	ssyncset.done $0x0  }
0x3c: {  	s25 =	rddreg [dreg:$0xb];
	[sflag:s6] =	ssyncadd.s32 $0xFFFFF000  }
0x3d: {  	[hbm4b:s25+s2] =	stream.linear.scatter [tilespmem:s5], [sflag:$0x2], $0x1000, $0x38;
	[tilespmem:$0x1080] =	vst v63  }
0x3e: {  	s8 =	sor.u32 $0x200, s0;
	_ =	swait.ge [sflag:s3], $0x1000  }
0x3f: {  	s26 =	sshrl.u32 s8, $0x3;
	[sflag:s3] =	ssyncset.done $0x0  }
0x40: {  	s7 =	sadd.s32 s30, s26;
	[sflag:s3] =	ssyncadd.s32 $0xFFFFF000  }
0x41: {  	[tilespmem:s2], [sflag:$0x2] =	stream.linear.gather [hbm4b:s7+s2], $0x80, $0x38;
	[tilespmem:$0x1080] =	vst v63  }
0x42: {  	_ =	swait.ge [sflag:s3], $0x80  }
0x43: {  	[sflag:s3] =	ssyncset.done $0x0  }
0x44: {  	[sflag:s3] =	ssyncadd.s32 $0xFFFFFF80  }
0x45: {  	[tilespmem:s5], [sflag:$0x1] =	stream.indirect.gather [hbm4b:s4+s5], $0x20, s2, s5, $0xb8;
	[tilespmem:$0x1080] =	vst v63  }
0x46: {  	_ =	swait.ge [sflag:s6], $0x1000  }
0x47: {  	s8 =	sshll.u32 s8, $0x2;
	[sflag:s6] =	ssyncset.done $0x0  }
0x48: {  	s8 =	sadd.s32 s31, s8;
	[sflag:s6] =	ssyncadd.s32 $0xFFFFF000  }
0x49: {  	[hbm4b:s8+s2] =	stream.linear.scatter [tilespmem:s5], [sflag:$0x2], $0x1000, $0x38;
	[tilespmem:$0x1080] =	vst v63  }
0x4a: {  	s10 =	sor.u32 $0x280, s0;
	_ =	swait.ge [sflag:s3], $0x1000  }
0x4b: {  	s9 =	sshrl.u32 s10, $0x3;
	[sflag:s3] =	ssyncset.done $0x0  }
0x4c: {  	s9 =	sadd.s32 s30, s9;
	[sflag:s3] =	ssyncadd.s32 $0xFFFFF000  }
0x4d: {  	[tilespmem:s2], [sflag:$0x2] =	stream.linear.gather [hbm4b:s9+s2], $0x80, $0x38;
	[tilespmem:$0x1080] =	vst v63  }
0x4e: {  	_ =	swait.ge [sflag:s3], $0x80  }
0x4f: {  	[sflag:s3] =	ssyncset.done $0x0  }
0x50: {  	[sflag:s3] =	ssyncadd.s32 $0xFFFFFF80  }
0x51: {  	[tilespmem:s5], [sflag:$0x1] =	stream.indirect.gather [hbm4b:s4+s5], $0x20, s2, s5, $0xb8;
	[tilespmem:$0x1080] =	vst v63  }
0x52: {  	_ =	swait.ge [sflag:s6], $0x1000  }
0x53: {  	s10 =	sshll.u32 s10, $0x2;
	[sflag:s6] =	ssyncset.done $0x0  }
0x54: {  	s10 =	sadd.s32 s31, s10;
	[sflag:s6] =	ssyncadd.s32 $0xFFFFF000  }
0x55: {  	[hbm4b:s10+s2] =	stream.linear.scatter [tilespmem:s5], [sflag:$0x2], $0x1000, $0x38;
	[tilespmem:$0x1080] =	vst v63  }
0x56: {  	s12 =	sor.u32 $0x300, s0;
	_ =	swait.ge [sflag:s3], $0x1000  }
0x57: {  	s11 =	sshrl.u32 s12, $0x3;
	[sflag:s3] =	ssyncset.done $0x0  }
0x58: {  	s11 =	sadd.s32 s30, s11;
	[sflag:s3] =	ssyncadd.s32 $0xFFFFF000  }
0x59: {  	[tilespmem:s2], [sflag:$0x2] =	stream.linear.gather [hbm4b:s11+s2], $0x80, $0x38;
	[tilespmem:$0x1080] =	vst v63  }
0x5a: {  	_ =	swait.ge [sflag:s3], $0x80  }
0x5b: {  	[sflag:s3] =	ssyncset.done $0x0  }
0x5c: {  	[sflag:s3] =	ssyncadd.s32 $0xFFFFFF80  }
0x5d: {  	[tilespmem:s5], [sflag:$0x1] =	stream.indirect.gather [hbm4b:s4+s5], $0x20, s2, s5, $0xb8;
	[tilespmem:$0x1080] =	vst v63  }
0x5e: {  	_ =	swait.ge [sflag:s6], $0x1000  }
0x5f: {  	s12 =	sshll.u32 s12, $0x2;
	[sflag:s6] =	ssyncset.done $0x0  }
0x60: {  	s12 =	sadd.s32 s31, s12;
	[sflag:s6] =	ssyncadd.s32 $0xFFFFF000  }
0x61: {  	[hbm4b:s12+s2] =	stream.linear.scatter [tilespmem:s5], [sflag:$0x2], $0x1000, $0x38;
	[tilespmem:$0x1080] =	vst v63  }
0x62: {  	s14 =	sor.u32 $0x380, s0;
	_ =	swait.ge [sflag:s3], $0x1000  }
0x63: {  	s13 =	sshrl.u32 s14, $0x3;
	[sflag:s3] =	ssyncset.done $0x0  }
0x64: {  	s13 =	sadd.s32 s30, s13;
	[sflag:s3] =	ssyncadd.s32 $0xFFFFF000  }
0x65: {  	[tilespmem:s2], [sflag:$0x2] =	stream.linear.gather [hbm4b:s13+s2], $0x80, $0x38;
	[tilespmem:$0x1080] =	vst v63  }
0x66: {  	_ =	swait.ge [sflag:s3], $0x80  }
0x67: {  	[sflag:s3] =	ssyncset.done $0x0  }
0x68: {  	[sflag:s3] =	ssyncadd.s32 $0xFFFFFF80  }
0x69: {  	[tilespmem:s5], [sflag:$0x1] =	stream.indirect.gather [hbm4b:s4+s5], $0x20, s2, s5, $0xb8;
	[tilespmem:$0x1080] =	vst v63  }
0x6a: {  	_ =	swait.ge [sflag:s6], $0x1000  }
0x6b: {  	s14 =	sshll.u32 s14, $0x2;
	[sflag:s6] =	ssyncset.done $0x0  }
0x6c: {  	s14 =	sadd.s32 s31, s14;
	[sflag:s6] =	ssyncadd.s32 $0xFFFFF000  }
0x6d: {  	[hbm4b:s14+s2] =	stream.linear.scatter [tilespmem:s5], [sflag:$0x2], $0x1000, $0x38;
	[tilespmem:$0x1080] =	vst v63  }
0x6e: {  	s16 =	sor.u32 $0x400, s0;
	_ =	swait.ge [sflag:s3], $0x1000  }
0x6f: {  	s15 =	sshrl.u32 s16, $0x3;
	[sflag:s3] =	ssyncset.done $0x0  }
0x70: {  	s15 =	sadd.s32 s30, s15;
	[sflag:s3] =	ssyncadd.s32 $0xFFFFF000  }
0x71: {  	[tilespmem:s2], [sflag:$0x2] =	stream.linear.gather [hbm4b:s15+s2], $0x80, $0x38;
	[tilespmem:$0x1080] =	vst v63  }
0x72: {  	_ =	swait.ge [sflag:s3], $0x80  }
0x73: {  	[sflag:s3] =	ssyncset.done $0x0  }
0x74: {  	[sflag:s3] =	ssyncadd.s32 $0xFFFFFF80  }
0x75: {  	[tilespmem:s5], [sflag:$0x1] =	stream.indirect.gather [hbm4b:s4+s5], $0x20, s2, s5, $0xb8;
	[tilespmem:$0x1080] =	vst v63  }
0x76: {  	_ =	swait.ge [sflag:s6], $0x1000  }
0x77: {  	s16 =	sshll.u32 s16, $0x2;
	[sflag:s6] =	ssyncset.done $0x0  }
0x78: {  	s16 =	sadd.s32 s31, s16;
	[sflag:s6] =	ssyncadd.s32 $0xFFFFF000  }
0x79: {  	[hbm4b:s16+s2] =	stream.linear.scatter [tilespmem:s5], [sflag:$0x2], $0x1000, $0x38;
	[tilespmem:$0x1080] =	vst v63  }
0x7a: {  	s18 =	sor.u32 $0x480, s0;
	_ =	swait.ge [sflag:s3], $0x1000  }
0x7b: {  	s17 =	sshrl.u32 s18, $0x3;
	[sflag:s3] =	ssyncset.done $0x0  }
0x7c: {  	s17 =	sadd.s32 s30, s17;
	[sflag:s3] =	ssyncadd.s32 $0xFFFFF000  }
0x7d: {  	[tilespmem:s2], [sflag:$0x2] =	stream.linear.gather [hbm4b:s17+s2], $0x80, $0x38;
	[tilespmem:$0x1080] =	vst v63  }
0x7e: {  	_ =	swait.ge [sflag:s3], $0x80  }
0x7f: {  	[sflag:s3] =	ssyncset.done $0x0  }
0x80: {  	[sflag:s3] =	ssyncadd.s32 $0xFFFFFF80  }
0x81: {  	[tilespmem:s5], [sflag:$0x1] =	stream.indirect.gather [hbm4b:s4+s5], $0x20, s2, s5, $0xb8;
	[tilespmem:$0x1080] =	vst v63  }
0x82: {  	_ =	swait.ge [sflag:s6], $0x1000  }
0x83: {  	s18 =	sshll.u32 s18, $0x2;
	[sflag:s6] =	ssyncset.done $0x0  }
0x84: {  	s18 =	sadd.s32 s31, s18;
	[sflag:s6] =	ssyncadd.s32 $0xFFFFF000  }
0x85: {  	[hbm4b:s18+s2] =	stream.linear.scatter [tilespmem:s5], [sflag:$0x2], $0x1000, $0x38;
	[tilespmem:$0x1080] =	vst v63  }
0x86: {  	s20 =	sor.u32 $0x500, s0;
	_ =	swait.ge [sflag:s3], $0x1000  }
0x87: {  	s19 =	sshrl.u32 s20, $0x3;
	[sflag:s3] =	ssyncset.done $0x0  }
0x88: {  	s19 =	sadd.s32 s30, s19;
	[sflag:s3] =	ssyncadd.s32 $0xFFFFF000  }
0x89: {  	[tilespmem:s2], [sflag:$0x2] =	stream.linear.gather [hbm4b:s19+s2], $0x80, $0x38;
	[tilespmem:$0x1080] =	vst v63  }
0x8a: {  	_ =	swait.ge [sflag:s3], $0x80  }
0x8b: {  	[sflag:s3] =	ssyncset.done $0x0  }
0x8c: {  	[sflag:s3] =	ssyncadd.s32 $0xFFFFFF80  }
0x8d: {  	[tilespmem:s5], [sflag:$0x1] =	stream.indirect.gather [hbm4b:s4+s5], $0x20, s2, s5, $0xb8;
	[tilespmem:$0x1080] =	vst v63  }
0x8e: {  	_ =	swait.ge [sflag:s6], $0x1000  }
0x8f: {  	s20 =	sshll.u32 s20, $0x2;
	[sflag:s6] =	ssyncset.done $0x0  }
0x90: {  	s20 =	sadd.s32 s31, s20;
	[sflag:s6] =	ssyncadd.s32 $0xFFFFF000  }
0x91: {  	[hbm4b:s20+s2] =	stream.linear.scatter [tilespmem:s5], [sflag:$0x2], $0x1000, $0x38;
	[tilespmem:$0x1080] =	vst v63  }
0x92: {  	s22 =	sor.u32 $0x580, s0;
	_ =	swait.ge [sflag:s3], $0x1000  }
0x93: {  	s21 =	sshrl.u32 s22, $0x3;
	[sflag:s3] =	ssyncset.done $0x0  }
0x94: {  	s21 =	sadd.s32 s30, s21;
	[sflag:s3] =	ssyncadd.s32 $0xFFFFF000  }
0x95: {  	[tilespmem:s2], [sflag:$0x2] =	stream.linear.gather [hbm4b:s21+s2], $0x80, $0x38;
	[tilespmem:$0x1080] =	vst v63  }
0x96: {  	_ =	swait.ge [sflag:s3], $0x80  }
0x97: {  	[sflag:s3] =	ssyncset.done $0x0  }
0x98: {  	[sflag:s3] =	ssyncadd.s32 $0xFFFFFF80  }
0x99: {  	[tilespmem:s5], [sflag:$0x1] =	stream.indirect.gather [hbm4b:s4+s5], $0x20, s2, s5, $0xb8;
	[tilespmem:$0x1080] =	vst v63  }
0x9a: {  	_ =	swait.ge [sflag:s6], $0x1000  }
0x9b: {  	s22 =	sshll.u32 s22, $0x2;
	[sflag:s6] =	ssyncset.done $0x0  }
0x9c: {  	s22 =	sadd.s32 s31, s22;
	[sflag:s6] =	ssyncadd.s32 $0xFFFFF000  }
0x9d: {  	[hbm4b:s22+s2] =	stream.linear.scatter [tilespmem:s5], [sflag:$0x2], $0x1000, $0x38;
	[tilespmem:$0x1080] =	vst v63  }
0x9e: {  	s24 =	sor.u32 $0x600, s0;
	_ =	swait.ge [sflag:s3], $0x1000  }
0x9f: {  	s23 =	sshrl.u32 s24, $0x3;
	[sflag:s3] =	ssyncset.done $0x0  }
0xa0: {  	s23 =	sadd.s32 s30, s23;
	[sflag:s3] =	ssyncadd.s32 $0xFFFFF000  }
0xa1: {  	[tilespmem:s2], [sflag:$0x2] =	stream.linear.gather [hbm4b:s23+s2], $0x80, $0x38;
	[tilespmem:$0x1080] =	vst v63  }
0xa2: {  	_ =	swait.ge [sflag:s3], $0x80  }
0xa3: {  	[sflag:s3] =	ssyncset.done $0x0  }
0xa4: {  	[sflag:s3] =	ssyncadd.s32 $0xFFFFFF80  }
0xa5: {  	[tilespmem:s5], [sflag:$0x1] =	stream.indirect.gather [hbm4b:s4+s5], $0x20, s2, s5, $0xb8;
	[tilespmem:$0x1080] =	vst v63  }
0xa6: {  	_ =	swait.ge [sflag:s6], $0x1000  }
0xa7: {  	s24 =	sshll.u32 s24, $0x2;
	[sflag:s6] =	ssyncset.done $0x0  }
0xa8: {  	s24 =	sadd.s32 s31, s24;
	[sflag:s6] =	ssyncadd.s32 $0xFFFFF000  }
0xa9: {  	[hbm4b:s24+s2] =	stream.linear.scatter [tilespmem:s5], [sflag:$0x2], $0x1000, $0x38;
	[tilespmem:$0x1080] =	vst v63  }
0xaa: {  	s26 =	sor.u32 $0x680, s0;
	_ =	swait.ge [sflag:s3], $0x1000  }
0xab: {  	s25 =	sshrl.u32 s26, $0x3;
	[sflag:s3] =	ssyncset.done $0x0  }
0xac: {  	s25 =	sadd.s32 s30, s25;
	[sflag:s3] =	ssyncadd.s32 $0xFFFFF000  }
0xad: {  	[tilespmem:s2], [sflag:$0x2] =	stream.linear.gather [hbm4b:s25+s2], $0x80, $0x38;
	[tilespmem:$0x1080] =	vst v63  }
0xae: {  	_ =	swait.ge [sflag:s3], $0x80  }
0xaf: {  	[sflag:s3] =	ssyncset.done $0x0  }
0xb0: {  	[sflag:s3] =	ssyncadd.s32 $0xFFFFFF80  }
0xb1: {  	[tilespmem:s5], [sflag:$0x1] =	stream.indirect.gather [hbm4b:s4+s5], $0x20, s2, s5, $0xb8;
	[tilespmem:$0x1080] =	vst v63  }
0xb2: {  	_ =	swait.ge [sflag:s6], $0x1000  }
0xb3: {  	s26 =	sshll.u32 s26, $0x2;
	[sflag:s6] =	ssyncset.done $0x0  }
0xb4: {  	s26 =	sadd.s32 s31, s26;
	[sflag:s6] =	ssyncadd.s32 $0xFFFFF000  }
0xb5: {  	[hbm4b:s26+s2] =	stream.linear.scatter [tilespmem:s5], [sflag:$0x2], $0x1000, $0x38;
	[tilespmem:$0x1080] =	vst v63  }
0xb6: {  	s29 =	sor.u32 $0x700, s0;
	_ =	swait.ge [sflag:s3], $0x1000  }
0xb7: {  	s28 =	sshrl.u32 s29, $0x3;
	[sflag:s3] =	ssyncset.done $0x0  }
0xb8: {  	s28 =	sadd.s32 s30, s28;
	[sflag:s3] =	ssyncadd.s32 $0xFFFFF000  }
0xb9: {  	[tilespmem:s2], [sflag:$0x2] =	stream.linear.gather [hbm4b:s28+s2], $0x80, $0x38;
	[tilespmem:$0x1080] =	vst v63  }
0xba: {  	_ =	swait.ge [sflag:s3], $0x80  }
0xbb: {  	[sflag:s3] =	ssyncset.done $0x0  }
0xbc: {  	[sflag:s3] =	ssyncadd.s32 $0xFFFFFF80  }
0xbd: {  	[tilespmem:s5], [sflag:$0x1] =	stream.indirect.gather [hbm4b:s4+s5], $0x20, s2, s5, $0xb8;
	[tilespmem:$0x1080] =	vst v63  }
0xbe: {  	_ =	swait.ge [sflag:s6], $0x1000  }
0xbf: {  	s29 =	sshll.u32 s29, $0x2;
	[sflag:s6] =	ssyncset.done $0x0  }
0xc0: {  	s29 =	sadd.s32 s31, s29;
	[sflag:s6] =	ssyncadd.s32 $0xFFFFF000  }
0xc1: {  	[hbm4b:s29+s2] =	stream.linear.scatter [tilespmem:s5], [sflag:$0x2], $0x1000, $0x38;
	[tilespmem:$0x1080] =	vst v63  }
0xc2: {  	s0 =	sor.u32 $0x780, s0;
	_ =	swait.ge [sflag:s3], $0x1000  }
0xc3: {  	s31 =	sshrl.u32 s0, $0x3;
	[sflag:s3] =	ssyncset.done $0x0  }
0xc4: {  	s30 =	sadd.s32 s30, s31;
	s31 =	ssub.s32 $0x2, s1;
	[sflag:s3] =	ssyncadd.s32 $0xFFFFF000  }
0xc5: {  	[tilespmem:s2], [sflag:$0x2] =	stream.linear.gather [hbm4b:s30+s2], $0x80, $0x38;
	[tilespmem:$0x1080] =	vst v63  }
0xc6: {  	s1 =	sshrl.u32 s31, $0x1;
	_ =	swait.ge [sflag:s3], $0x80  }
0xc7: {  	s1 =	ssub.s32 s31, s1;
	[sflag:s3] =	ssyncset.done $0x0  }
0xc8: {  	s1 =	smax.u32 s1, $0x1;
	[sflag:s3] =	ssyncadd.s32 $0xFFFFFF80  }
0xc9: {  	[tilespmem:s5], [sflag:$0x1] =	stream.indirect.gather [hbm4b:s4+s5], $0x20, s2, s5, $0xb8;
	[tilespmem:$0x1080] =	vst v63  }
0xca: {  	p0 =	sne.s32 s1, $0x1;
	_ =	swait.ge [sflag:s6], $0x1000  }
.Ltmp0:
0xcb: {  	[sflag:s6] =	ssyncset.done $0x0;
	(pc) =	sbr.rel @!p0 .LBB2_2-.Ltmp0, $4  }
0xcc: {  	s0 =	sshll.u32 s0, $0x2;
	s31 =	rddreg [dreg:$0x2]  }
0xcd: {  	[sflag:s6] =	ssyncadd.s32 $0xFFFFF000;
	s31 =	sadd.s32 s31, s0  }
0xce: {  	[hbm4b:s31+s2] =	stream.linear.scatter [tilespmem:s5], [sflag:$0x2], $0x1000, $0x38;
	[tilespmem:$0x1080] =	vst v63  }
0xcf: {  	s1 =	sadd.s32 $0xFFFFFFFF, s1;
	_ =	swait.ge [sflag:s3], $0x1000  }
.LBB2_1:
0xd0: {  	[sflag:s3] =	ssyncset.done $0x0  }
0xd1: {  	s0 =	rddreg [dreg:$0x4];
	[sflag:s3] =	ssyncadd.s32 $0xFFFFF000  }
0xd2: {  	[tilespmem:s2], [sflag:$0x2] =	stream.linear.gather [hbm4b:s0+s2], $0x80, $0x38;
	[tilespmem:$0x1080] =	vst v63  }
0xd3: {  	_ =	swait.ge [sflag:s3], $0x80  }
0xd4: {  	[sflag:s3] =	ssyncset.done $0x0  }
0xd5: {  	[sflag:s3] =	ssyncadd.s32 $0xFFFFFF80  }
0xd6: {  	[tilespmem:s5], [sflag:$0x1] =	stream.indirect.gather [hbm4b:s4+s5], $0x20, s2, s5, $0xb8;
	[tilespmem:$0x1080] =	vst v63  }
0xd7: {  	_ =	swait.ge [sflag:s6], $0x1000  }
0xd8: {  	[sflag:s6] =	ssyncset.done $0x0  }
0xd9: {  	s0 =	rddreg [dreg:$0x5];
	[sflag:s6] =	ssyncadd.s32 $0xFFFFF000  }
0xda: {  	[hbm4b:s0+s2] =	stream.linear.scatter [tilespmem:s5], [sflag:$0x2], $0x1000, $0x38;
	[tilespmem:$0x1080] =	vst v63  }
0xdb: {  	_ =	swait.ge [sflag:s3], $0x1000  }
0xdc: {  	[sflag:s3] =	ssyncset.done $0x0  }
0xdd: {  	s0 =	rddreg [dreg:$0x6];
	[sflag:s3] =	ssyncadd.s32 $0xFFFFF000  }
0xde: {  	[tilespmem:s2], [sflag:$0x2] =	stream.linear.gather [hbm4b:s0+s2], $0x80, $0x38;
	[tilespmem:$0x1080] =	vst v63  }
0xdf: {  	_ =	swait.ge [sflag:s3], $0x80  }
0xe0: {  	[sflag:s3] =	ssyncset.done $0x0  }
0xe1: {  	[sflag:s3] =	ssyncadd.s32 $0xFFFFFF80  }
0xe2: {  	[tilespmem:s5], [sflag:$0x1] =	stream.indirect.gather [hbm4b:s4+s5], $0x20, s2, s5, $0xb8;
	[tilespmem:$0x1080] =	vst v63  }
0xe3: {  	_ =	swait.ge [sflag:s6], $0x1000  }
0xe4: {  	[sflag:s6] =	ssyncset.done $0x0  }
0xe5: {  	s0 =	rddreg [dreg:$0x7];
	[sflag:s6] =	ssyncadd.s32 $0xFFFFF000  }
0xe6: {  	[hbm4b:s0+s2] =	stream.linear.scatter [tilespmem:s5], [sflag:$0x2], $0x1000, $0x38;
	[tilespmem:$0x1080] =	vst v63  }
0xe7: {  	_ =	swait.ge [sflag:s3], $0x1000  }
0xe8: {  	[sflag:s3] =	ssyncset.done $0x0  }
0xe9: {  	s0 =	rddreg [dreg:$0x8];
	[sflag:s3] =	ssyncadd.s32 $0xFFFFF000  }
0xea: {  	[tilespmem:s2], [sflag:$0x2] =	stream.linear.gather [hbm4b:s0+s2], $0x80, $0x38;
	[tilespmem:$0x1080] =	vst v63  }
0xeb: {  	_ =	swait.ge [sflag:s3], $0x80  }
0xec: {  	[sflag:s3] =	ssyncset.done $0x0  }
0xed: {  	[sflag:s3] =	ssyncadd.s32 $0xFFFFFF80  }
0xee: {  	[tilespmem:s5], [sflag:$0x1] =	stream.indirect.gather [hbm4b:s4+s5], $0x20, s2, s5, $0xb8;
	[tilespmem:$0x1080] =	vst v63  }
0xef: {  	_ =	swait.ge [sflag:s6], $0x1000  }
0xf0: {  	[sflag:s6] =	ssyncset.done $0x0  }
0xf1: {  	s0 =	rddreg [dreg:$0x9];
	[sflag:s6] =	ssyncadd.s32 $0xFFFFF000  }
0xf2: {  	[hbm4b:s0+s2] =	stream.linear.scatter [tilespmem:s5], [sflag:$0x2], $0x1000, $0x38;
	[tilespmem:$0x1080] =	vst v63  }
0xf3: {  	_ =	swait.ge [sflag:s3], $0x1000  }
0xf4: {  	[sflag:s3] =	ssyncset.done $0x0  }
0xf5: {  	s0 =	rddreg [dreg:$0xa];
	[sflag:s3] =	ssyncadd.s32 $0xFFFFF000  }
0xf6: {  	[tilespmem:s2], [sflag:$0x2] =	stream.linear.gather [hbm4b:s0+s2], $0x80, $0x38;
	[tilespmem:$0x1080] =	vst v63  }
0xf7: {  	_ =	swait.ge [sflag:s3], $0x80  }
0xf8: {  	[sflag:s3] =	ssyncset.done $0x0  }
0xf9: {  	[sflag:s3] =	ssyncadd.s32 $0xFFFFFF80  }
0xfa: {  	[tilespmem:s5], [sflag:$0x1] =	stream.indirect.gather [hbm4b:s4+s5], $0x20, s2, s5, $0xb8;
	[tilespmem:$0x1080] =	vst v63  }
0xfb: {  	_ =	swait.ge [sflag:s6], $0x1000  }
0xfc: {  	[sflag:s6] =	ssyncset.done $0x0  }
0xfd: {  	s0 =	rddreg [dreg:$0xb];
	[sflag:s6] =	ssyncadd.s32 $0xFFFFF000  }
0xfe: {  	[hbm4b:s0+s2] =	stream.linear.scatter [tilespmem:s5], [sflag:$0x2], $0x1000, $0x38;
	[tilespmem:$0x1080] =	vst v63  }
0xff: {  	_ =	swait.ge [sflag:s3], $0x1000  }
0x100: {  	[sflag:s3] =	ssyncset.done $0x0  }
0x101: {  	[sflag:s3] =	ssyncadd.s32 $0xFFFFF000  }
0x102: {  	[tilespmem:s2], [sflag:$0x2] =	stream.linear.gather [hbm4b:s7+s2], $0x80, $0x38;
	[tilespmem:$0x1080] =	vst v63  }
0x103: {  	_ =	swait.ge [sflag:s3], $0x80  }
0x104: {  	[sflag:s3] =	ssyncset.done $0x0  }
0x105: {  	[sflag:s3] =	ssyncadd.s32 $0xFFFFFF80  }
0x106: {  	[tilespmem:s5], [sflag:$0x1] =	stream.indirect.gather [hbm4b:s4+s5], $0x20, s2, s5, $0xb8;
	[tilespmem:$0x1080] =	vst v63  }
0x107: {  	_ =	swait.ge [sflag:s6], $0x1000  }
0x108: {  	[sflag:s6] =	ssyncset.done $0x0  }
0x109: {  	[sflag:s6] =	ssyncadd.s32 $0xFFFFF000  }
0x10a: {  	[hbm4b:s8+s2] =	stream.linear.scatter [tilespmem:s5], [sflag:$0x2], $0x1000, $0x38;
	[tilespmem:$0x1080] =	vst v63  }
0x10b: {  	_ =	swait.ge [sflag:s3], $0x1000  }
0x10c: {  	[sflag:s3] =	ssyncset.done $0x0  }
0x10d: {  	[sflag:s3] =	ssyncadd.s32 $0xFFFFF000  }
0x10e: {  	[tilespmem:s2], [sflag:$0x2] =	stream.linear.gather [hbm4b:s9+s2], $0x80, $0x38;
	[tilespmem:$0x1080] =	vst v63  }
0x10f: {  	_ =	swait.ge [sflag:s3], $0x80  }
0x110: {  	[sflag:s3] =	ssyncset.done $0x0  }
0x111: {  	[sflag:s3] =	ssyncadd.s32 $0xFFFFFF80  }
0x112: {  	[tilespmem:s5], [sflag:$0x1] =	stream.indirect.gather [hbm4b:s4+s5], $0x20, s2, s5, $0xb8;
	[tilespmem:$0x1080] =	vst v63  }
0x113: {  	_ =	swait.ge [sflag:s6], $0x1000  }
0x114: {  	[sflag:s6] =	ssyncset.done $0x0  }
0x115: {  	[sflag:s6] =	ssyncadd.s32 $0xFFFFF000  }
0x116: {  	[hbm4b:s10+s2] =	stream.linear.scatter [tilespmem:s5], [sflag:$0x2], $0x1000, $0x38;
	[tilespmem:$0x1080] =	vst v63  }
0x117: {  	_ =	swait.ge [sflag:s3], $0x1000  }
0x118: {  	[sflag:s3] =	ssyncset.done $0x0  }
0x119: {  	[sflag:s3] =	ssyncadd.s32 $0xFFFFF000  }
0x11a: {  	[tilespmem:s2], [sflag:$0x2] =	stream.linear.gather [hbm4b:s11+s2], $0x80, $0x38;
	[tilespmem:$0x1080] =	vst v63  }
0x11b: {  	_ =	swait.ge [sflag:s3], $0x80  }
0x11c: {  	[sflag:s3] =	ssyncset.done $0x0  }
0x11d: {  	[sflag:s3] =	ssyncadd.s32 $0xFFFFFF80  }
0x11e: {  	[tilespmem:s5], [sflag:$0x1] =	stream.indirect.gather [hbm4b:s4+s5], $0x20, s2, s5, $0xb8;
	[tilespmem:$0x1080] =	vst v63  }
0x11f: {  	_ =	swait.ge [sflag:s6], $0x1000  }
0x120: {  	[sflag:s6] =	ssyncset.done $0x0  }
0x121: {  	[sflag:s6] =	ssyncadd.s32 $0xFFFFF000  }
0x122: {  	[hbm4b:s12+s2] =	stream.linear.scatter [tilespmem:s5], [sflag:$0x2], $0x1000, $0x38;
	[tilespmem:$0x1080] =	vst v63  }
0x123: {  	_ =	swait.ge [sflag:s3], $0x1000  }
0x124: {  	[sflag:s3] =	ssyncset.done $0x0  }
0x125: {  	[sflag:s3] =	ssyncadd.s32 $0xFFFFF000  }
0x126: {  	[tilespmem:s2], [sflag:$0x2] =	stream.linear.gather [hbm4b:s13+s2], $0x80, $0x38;
	[tilespmem:$0x1080] =	vst v63  }
0x127: {  	_ =	swait.ge [sflag:s3], $0x80  }
0x128: {  	[sflag:s3] =	ssyncset.done $0x0  }
0x129: {  	[sflag:s3] =	ssyncadd.s32 $0xFFFFFF80  }
0x12a: {  	[tilespmem:s5], [sflag:$0x1] =	stream.indirect.gather [hbm4b:s4+s5], $0x20, s2, s5, $0xb8;
	[tilespmem:$0x1080] =	vst v63  }
0x12b: {  	_ =	swait.ge [sflag:s6], $0x1000  }
0x12c: {  	[sflag:s6] =	ssyncset.done $0x0  }
0x12d: {  	[sflag:s6] =	ssyncadd.s32 $0xFFFFF000  }
0x12e: {  	[hbm4b:s14+s2] =	stream.linear.scatter [tilespmem:s5], [sflag:$0x2], $0x1000, $0x38;
	[tilespmem:$0x1080] =	vst v63  }
0x12f: {  	_ =	swait.ge [sflag:s3], $0x1000  }
0x130: {  	[sflag:s3] =	ssyncset.done $0x0  }
0x131: {  	[sflag:s3] =	ssyncadd.s32 $0xFFFFF000  }
0x132: {  	[tilespmem:s2], [sflag:$0x2] =	stream.linear.gather [hbm4b:s15+s2], $0x80, $0x38;
	[tilespmem:$0x1080] =	vst v63  }
0x133: {  	_ =	swait.ge [sflag:s3], $0x80  }
0x134: {  	[sflag:s3] =	ssyncset.done $0x0  }
0x135: {  	[sflag:s3] =	ssyncadd.s32 $0xFFFFFF80  }
0x136: {  	[tilespmem:s5], [sflag:$0x1] =	stream.indirect.gather [hbm4b:s4+s5], $0x20, s2, s5, $0xb8;
	[tilespmem:$0x1080] =	vst v63  }
0x137: {  	_ =	swait.ge [sflag:s6], $0x1000  }
0x138: {  	[sflag:s6] =	ssyncset.done $0x0  }
0x139: {  	[sflag:s6] =	ssyncadd.s32 $0xFFFFF000  }
0x13a: {  	[hbm4b:s16+s2] =	stream.linear.scatter [tilespmem:s5], [sflag:$0x2], $0x1000, $0x38;
	[tilespmem:$0x1080] =	vst v63  }
0x13b: {  	_ =	swait.ge [sflag:s3], $0x1000  }
0x13c: {  	[sflag:s3] =	ssyncset.done $0x0  }
0x13d: {  	[sflag:s3] =	ssyncadd.s32 $0xFFFFF000  }
0x13e: {  	[tilespmem:s2], [sflag:$0x2] =	stream.linear.gather [hbm4b:s17+s2], $0x80, $0x38;
	[tilespmem:$0x1080] =	vst v63  }
0x13f: {  	_ =	swait.ge [sflag:s3], $0x80  }
0x140: {  	[sflag:s3] =	ssyncset.done $0x0  }
0x141: {  	[sflag:s3] =	ssyncadd.s32 $0xFFFFFF80  }
0x142: {  	[tilespmem:s5], [sflag:$0x1] =	stream.indirect.gather [hbm4b:s4+s5], $0x20, s2, s5, $0xb8;
	[tilespmem:$0x1080] =	vst v63  }
0x143: {  	_ =	swait.ge [sflag:s6], $0x1000  }
0x144: {  	[sflag:s6] =	ssyncset.done $0x0  }
0x145: {  	[sflag:s6] =	ssyncadd.s32 $0xFFFFF000  }
0x146: {  	[hbm4b:s18+s2] =	stream.linear.scatter [tilespmem:s5], [sflag:$0x2], $0x1000, $0x38;
	[tilespmem:$0x1080] =	vst v63  }
0x147: {  	_ =	swait.ge [sflag:s3], $0x1000  }
0x148: {  	[sflag:s3] =	ssyncset.done $0x0  }
0x149: {  	[sflag:s3] =	ssyncadd.s32 $0xFFFFF000  }
0x14a: {  	[tilespmem:s2], [sflag:$0x2] =	stream.linear.gather [hbm4b:s19+s2], $0x80, $0x38;
	[tilespmem:$0x1080] =	vst v63  }
0x14b: {  	_ =	swait.ge [sflag:s3], $0x80  }
0x14c: {  	[sflag:s3] =	ssyncset.done $0x0  }
0x14d: {  	[sflag:s3] =	ssyncadd.s32 $0xFFFFFF80  }
0x14e: {  	[tilespmem:s5], [sflag:$0x1] =	stream.indirect.gather [hbm4b:s4+s5], $0x20, s2, s5, $0xb8;
	[tilespmem:$0x1080] =	vst v63  }
0x14f: {  	_ =	swait.ge [sflag:s6], $0x1000  }
0x150: {  	[sflag:s6] =	ssyncset.done $0x0  }
0x151: {  	[sflag:s6] =	ssyncadd.s32 $0xFFFFF000  }
0x152: {  	[hbm4b:s20+s2] =	stream.linear.scatter [tilespmem:s5], [sflag:$0x2], $0x1000, $0x38;
	[tilespmem:$0x1080] =	vst v63  }
0x153: {  	_ =	swait.ge [sflag:s3], $0x1000  }
0x154: {  	[sflag:s3] =	ssyncset.done $0x0  }
0x155: {  	[sflag:s3] =	ssyncadd.s32 $0xFFFFF000  }
0x156: {  	[tilespmem:s2], [sflag:$0x2] =	stream.linear.gather [hbm4b:s21+s2], $0x80, $0x38;
	[tilespmem:$0x1080] =	vst v63  }
0x157: {  	_ =	swait.ge [sflag:s3], $0x80  }
0x158: {  	[sflag:s3] =	ssyncset.done $0x0  }
0x159: {  	[sflag:s3] =	ssyncadd.s32 $0xFFFFFF80  }
0x15a: {  	[tilespmem:s5], [sflag:$0x1] =	stream.indirect.gather [hbm4b:s4+s5], $0x20, s2, s5, $0xb8;
	[tilespmem:$0x1080] =	vst v63  }
0x15b: {  	_ =	swait.ge [sflag:s6], $0x1000  }
0x15c: {  	[sflag:s6] =	ssyncset.done $0x0  }
0x15d: {  	[sflag:s6] =	ssyncadd.s32 $0xFFFFF000  }
0x15e: {  	[hbm4b:s22+s2] =	stream.linear.scatter [tilespmem:s5], [sflag:$0x2], $0x1000, $0x38;
	[tilespmem:$0x1080] =	vst v63  }
0x15f: {  	_ =	swait.ge [sflag:s3], $0x1000  }
0x160: {  	[sflag:s3] =	ssyncset.done $0x0  }
0x161: {  	[sflag:s3] =	ssyncadd.s32 $0xFFFFF000  }
0x162: {  	[tilespmem:s2], [sflag:$0x2] =	stream.linear.gather [hbm4b:s23+s2], $0x80, $0x38;
	[tilespmem:$0x1080] =	vst v63  }
0x163: {  	_ =	swait.ge [sflag:s3], $0x80  }
0x164: {  	[sflag:s3] =	ssyncset.done $0x0  }
0x165: {  	[sflag:s3] =	ssyncadd.s32 $0xFFFFFF80  }
0x166: {  	[tilespmem:s5], [sflag:$0x1] =	stream.indirect.gather [hbm4b:s4+s5], $0x20, s2, s5, $0xb8;
	[tilespmem:$0x1080] =	vst v63  }
0x167: {  	_ =	swait.ge [sflag:s6], $0x1000  }
0x168: {  	[sflag:s6] =	ssyncset.done $0x0  }
0x169: {  	[sflag:s6] =	ssyncadd.s32 $0xFFFFF000  }
0x16a: {  	[hbm4b:s24+s2] =	stream.linear.scatter [tilespmem:s5], [sflag:$0x2], $0x1000, $0x38;
	[tilespmem:$0x1080] =	vst v63  }
0x16b: {  	_ =	swait.ge [sflag:s3], $0x1000  }
0x16c: {  	[sflag:s3] =	ssyncset.done $0x0  }
0x16d: {  	[sflag:s3] =	ssyncadd.s32 $0xFFFFF000  }
0x16e: {  	[tilespmem:s2], [sflag:$0x2] =	stream.linear.gather [hbm4b:s25+s2], $0x80, $0x38;
	[tilespmem:$0x1080] =	vst v63  }
0x16f: {  	_ =	swait.ge [sflag:s3], $0x80  }
0x170: {  	[sflag:s3] =	ssyncset.done $0x0  }
0x171: {  	[sflag:s3] =	ssyncadd.s32 $0xFFFFFF80  }
0x172: {  	[tilespmem:s5], [sflag:$0x1] =	stream.indirect.gather [hbm4b:s4+s5], $0x20, s2, s5, $0xb8;
	[tilespmem:$0x1080] =	vst v63  }
0x173: {  	_ =	swait.ge [sflag:s6], $0x1000  }
0x174: {  	[sflag:s6] =	ssyncset.done $0x0  }
0x175: {  	[sflag:s6] =	ssyncadd.s32 $0xFFFFF000  }
0x176: {  	[hbm4b:s26+s2] =	stream.linear.scatter [tilespmem:s5], [sflag:$0x2], $0x1000, $0x38;
	[tilespmem:$0x1080] =	vst v63  }
0x177: {  	_ =	swait.ge [sflag:s3], $0x1000  }
0x178: {  	[sflag:s3] =	ssyncset.done $0x0  }
0x179: {  	[sflag:s3] =	ssyncadd.s32 $0xFFFFF000  }
0x17a: {  	[tilespmem:s2], [sflag:$0x2] =	stream.linear.gather [hbm4b:s28+s2], $0x80, $0x38;
	[tilespmem:$0x1080] =	vst v63  }
0x17b: {  	_ =	swait.ge [sflag:s3], $0x80  }
0x17c: {  	[sflag:s3] =	ssyncset.done $0x0  }
0x17d: {  	[sflag:s3] =	ssyncadd.s32 $0xFFFFFF80  }
0x17e: {  	[tilespmem:s5], [sflag:$0x1] =	stream.indirect.gather [hbm4b:s4+s5], $0x20, s2, s5, $0xb8;
	[tilespmem:$0x1080] =	vst v63  }
0x17f: {  	_ =	swait.ge [sflag:s6], $0x1000  }
0x180: {  	[sflag:s6] =	ssyncset.done $0x0  }
0x181: {  	[sflag:s6] =	ssyncadd.s32 $0xFFFFF000  }
0x182: {  	[hbm4b:s29+s2] =	stream.linear.scatter [tilespmem:s5], [sflag:$0x2], $0x1000, $0x38;
	[tilespmem:$0x1080] =	vst v63  }
0x183: {  	_ =	swait.ge [sflag:s3], $0x1000  }
0x184: {  	[sflag:s3] =	ssyncset.done $0x0  }
0x185: {  	[sflag:s3] =	ssyncadd.s32 $0xFFFFF000  }
0x186: {  	[tilespmem:s2], [sflag:$0x2] =	stream.linear.gather [hbm4b:s30+s2], $0x80, $0x38;
	[tilespmem:$0x1080] =	vst v63  }
0x187: {  	_ =	swait.ge [sflag:s3], $0x80  }
0x188: {  	[sflag:s3] =	ssyncset.done $0x0  }
0x189: {  	p0 =	sne.s32 s1, $0x1;
	[sflag:s3] =	ssyncadd.s32 $0xFFFFFF80  }
0x18a: {  	[tilespmem:s5], [sflag:$0x1] =	stream.indirect.gather [hbm4b:s4+s5], $0x20, s2, s5, $0xb8;
	[tilespmem:$0x1080] =	vst v63  }
.Ltmp1:
0x18b: {  	_ =	swait.ge [sflag:s6], $0x1000;
	(pc) =	sbr.rel @p0 .LBB2_1-.Ltmp1, $4  }
0x18c: {  	[sflag:s6] =	ssyncset.done $0x0  }
0x18d: {  	[sflag:s6] =	ssyncadd.s32 $0xFFFFF000  }
0x18e: {  	[hbm4b:s31+s2] =	stream.linear.scatter [tilespmem:s5], [sflag:$0x2], $0x1000, $0x38;
	[tilespmem:$0x1080] =	vst v63  }
0x18f: {  	s1 =	sadd.s32 $0xFFFFFFFF, s1;
	_ =	swait.ge [sflag:s3], $0x1000  }
.LBB2_2:
0x190: {  	[sflag:s3] =	ssyncset.done $0x0  }
0x191: {  	[sflag:s3] =	ssyncadd.s32 $0xFFFFF000  }
0x192: {  	_ =	sfence.sel $0x180000  }
0x193: {  	[bflag:$0x0] =	sbarrier.arrive $0xFFFF  }
0x194: {  	_ =	strace $0x90000047  }
0x195: {  	s0 =	stileid.u32;
	[bflag:$0x2] =	sbarrier.arrive $0xFFFF  }
0x196: {  	p0 =	sne.s32 s0, $0x0;
	s0 =	rddreg [dreg:$0x3]  }
0x197: {  	s0 =	sadd.s32 @!p0 $0x100000, s0  }
0x198: {  	[sflag:s0] =	ssyncadd.tile.s32 @!p0 $0x1;
	_ =	shalt  }
.Lfunc_end2:
_tile_overlayer_lowered:
.L_overlay_start_2:
0x199: {  	(tag) =	ssettag $0x2  }
0x19a: {  	s0 =	rddreg [dreg:$0x0];
	s2 =	stileid.u32  }
0x19b: {  	s1 =	rddreg [dreg:$0x1];
	p0 =	sne.s32 s2, $0x0  }
0x19c: {  	s3 =	rddreg [dreg:$0x2];
	[bflag:$0x3] =	sbarrier.arrive $0xFFFF;
	s2 =	simm.s32 @!p0 $0x1C02  }
0x19d: {  	[timem:s3], [sflag:s2] =	dma.local @!p0 [hbm:s0], s1  }
0x19e: {  	s0 =	simm.s32 @!p0 $0x2  }
0x19f: {  	_ =	swait.ge @!p0 [sflag:s0], s1  }
0x1a0: {  	s1 =	ssub.s32 @!p0 $0x0, s1;
	[sflag:s0] =	ssyncset.done @!p0 $0x0  }
0x1a1: {  	[sflag:s0] =	ssyncadd.s32 @!p0 s1  }
0x1a2: {  	[bflag:$0x3] =	sbarrier.arrive $0xFFFF  }
0x1a3: {  	_ =	shalt  }

</sc_bundles>
